<compile_context>
chip_gen: v7x
topology: tpu7x:2x2x1
jax: 0.10.2.dev20260603
libtpu: 0.0.44.dev20260713+nightly
codegen_flags: <defaults>
</compile_context>

<pallas_src>
import functools

import jax
import jax.numpy as jnp
from jax import lax
from jax.experimental import pallas as pl
from jax.experimental.pallas import tpu as pltpu
from jax.experimental.pallas import tpu_sc as plsc

_K = 16
_NSUB = 16
_NCORE = 2
_WIN = 128
_GARB = 64


def _sc_agg(x0p, x1p, esrc, edst, n, dh, nwin2):
    assert nwin2 % 2 == 0
    nwin = 2 * nwin2
    nq = nwin2 // 2
    rows_per = (n // _NSUB) // 8 * 8
    last0 = (_NSUB - 1) * rows_per
    last_sz = n - last0
    mesh = plsc.VectorSubcoreMesh(core_axis_name="c", subcore_axis_name="s")

    @functools.partial(
        pl.kernel,
        out_type=jax.ShapeDtypeStruct((_NCORE, n, dh), jnp.float32),
        mesh=mesh,
        scratch_types=[
            pltpu.VMEM((nwin * _WIN,), jnp.int32),
            pltpu.VMEM((2, 2, _WIN), jnp.int32),
            pltpu.VMEM((2, _WIN, dh), jnp.float32),
            pltpu.VMEM_SHARED((n + _GARB, dh), jnp.float32),
            pltpu.SemaphoreType.DMA,
            pltpu.SemaphoreType.DMA,
            pltpu.SemaphoreType.DMA,
            pltpu.SemaphoreType.DMA,
        ],
    )
    def k(x0h, x1h, esh, edh, outh, src_v, dst_v, rows_v, acc,
          sg0, sg1, sd0, sd1):
        c = lax.axis_index("c")
        s = lax.axis_index("s")
        r0 = s * rows_per
        pltpu.sync_copy(esh.at[s], src_v)
        sgs = (sg0, sg1)
        sds = (sd0, sd1)

        def stripe_copy(src_fn, dst_fn):
            @pl.when(s < _NSUB - 1)
            def _():
                pltpu.sync_copy(src_fn(r0, rows_per), dst_fn(r0, rows_per))

            @pl.when(s == _NSUB - 1)
            def _():
                pltpu.sync_copy(src_fn(last0, last_sz), dst_fn(last0, last_sz))

        def run(xh):
            def g_src(j):
                return xh.at[src_v.at[pl.ds(j * _WIN, _WIN)]]

            def start_gather(j, b):
                pltpu.async_copy(g_src(j), rows_v.at[b], sgs[b])

            def wait_gather(j, b):
                pltpu.make_async_copy(g_src(j), rows_v.at[b], sgs[b]).wait()

            def start_idx(jh, p):
                pltpu.async_copy(edh.at[s, jh], dst_v.at[p], sds[p])

            def wait_idx(jh, p):
                pltpu.make_async_copy(edh.at[s, jh], dst_v.at[p],
                                      sds[p]).wait()

            stripe_copy(lambda o, z: xh.at[pl.ds(o, z)],
                        lambda o, z: acc.at[pl.ds(o, z)])
            plsc.subcore_barrier()
            start_idx(0, 0)
            start_gather(0, 0)

            def quad(q, _):
                for ph in range(2):
                    jh = 2 * q + ph

                    @pl.when(jh + 1 < nwin2)
                    def _():
                        start_idx(jh + 1, 1 - ph)

                    wait_idx(jh, ph)
                    for b in range(2):
                        j = 2 * jh + b

                        @pl.when(j + 1 < nwin)
                        def _():
                            start_gather(j + 1, 1 - b)

                        wait_gather(j, b)
                        pltpu.sync_copy(rows_v.at[b],
                                        acc.at[dst_v.at[ph, b]], add=True)
                return ()

            lax.fori_loop(0, nq, quad, ())

        @pl.when(c == 0)
        def _():
            run(x0h)

        @pl.when(c == 1)
        def _():
            run(x1h)

        plsc.subcore_barrier()
        stripe_copy(lambda o, z: acc.at[pl.ds(o, z)],
                    lambda o, z: outh.at[c, pl.ds(o, z)])

    return k(x0p, x1p, esrc, edst)


def _fused_tc(h, w, comm2, n, dh, bn, temp):
    nb = n // bn
    dd = 2 * dh

    def body(h0_ref, h1_ref, w_ref, c_ref,
             z_ref, mu_ref, dist_ref, r_ref, u_ref, zscr, cacc, c2):
        p = pl.program_id(0)
        i = pl.program_id(1)
        lane = lax.broadcasted_iota(jnp.int32, (bn, _K), 1)

        @pl.when(p == 0)
        def _():
            hh = jnp.concatenate([h0_ref[0], h1_ref[0]], axis=1)
            zz = jax.lax.dot_general(
                hh, w_ref[...], (((1,), (0,)), ((), ())),
                preferred_element_type=jnp.float32)
            zz = jnp.maximum(zz, 0.0)
            nrm = jnp.sqrt(jnp.sum(zz * zz, axis=1, keepdims=True))
            zz = zz / jnp.maximum(nrm, 1e-12)
            z_ref[...] = zz
            zscr[pl.ds(i * bn, bn), :] = zz
            oh = (c_ref[...] == lane).astype(jnp.float32)
            minc = jax.lax.dot_general(oh, zz, (((0,), (0,)), ((), ())),
                                       preferred_element_type=jnp.float32,
                                       precision=lax.Precision.HIGHEST)
            cinc = jax.lax.dot_general(oh, jnp.ones((bn, dh), jnp.float32),
                                       (((0,), (0,)), ((), ())),
                                       preferred_element_type=jnp.float32,
                                       precision=lax.Precision.HIGHEST)

            @pl.when(i == 0)
            def _():
                mu_ref[...] = minc
                cacc[...] = cinc

            @pl.when(i > 0)
            def _():
                mu_ref[...] += minc
                cacc[...] += cinc

            @pl.when(i == nb - 1)
            def _():
                cnt = jnp.maximum(cacc[...], 1.0)[:, 0:1]
                mu_ref[...] = mu_ref[...] / cnt

        @pl.when(p == 1)
        def _():
            zz = zscr[pl.ds(i * bn, bn), :]
            dmat = jax.lax.dot_general(zz, mu_ref[...],
                                       (((1,), (1,)), ((), ())),
                                       preferred_element_type=jnp.float32)
            dist_ref[...] = dmat
            t = temp * dmat
            m = jnp.max(t, axis=1, keepdims=True)
            ee = jnp.exp(t - m)
            rr = ee / jnp.sum(ee, axis=1, keepdims=True)
            r_ref[...] = rr
            rmax = jnp.max(rr, axis=1, keepdims=True)
            cand = jnp.where(rr == rmax, lane, _K)
            amin = jnp.min(cand, axis=1, keepdims=True)
            oh = (lane == amin).astype(jnp.float32)
            uinc = jax.lax.dot_general(oh, zz, (((0,), (0,)), ((), ())),
                                       preferred_element_type=jnp.float32,
                                       precision=lax.Precision.HIGHEST)
            cinc = jax.lax.dot_general(oh, jnp.ones((bn, _K), jnp.float32),
                                       (((0,), (0,)), ((), ())),
                                       preferred_element_type=jnp.float32,
                                       precision=lax.Precision.HIGHEST)

            @pl.when(i == 0)
            def _():
                u_ref[...] = uinc
                c2[...] = cinc

            @pl.when(i > 0)
            def _():
                u_ref[...] += uinc
                c2[...] += cinc

            @pl.when(i == nb - 1)
            def _():
                cnt = jnp.maximum(c2[...], 1.0)[:, 0:1]
                u_ref[...] = u_ref[...] / cnt

    enc_i = lambda p, i: jnp.where(p == 0, i, nb - 1)
    rte_i = lambda p, i: jnp.where(p == 0, 0, i)
    return pl.pallas_call(
        body,
        grid=(2, nb),
        in_specs=[
            pl.BlockSpec((1, bn, dh), lambda p, i: (0, enc_i(p, i), 0)),
            pl.BlockSpec((1, bn, dh), lambda p, i: (1, enc_i(p, i), 0)),
            pl.BlockSpec((dd, dd), lambda p, i: (0, 0)),
            pl.BlockSpec((bn, 1), lambda p, i: (enc_i(p, i), 0)),
        ],
        out_specs=[
            pl.BlockSpec((bn, dd), lambda p, i: (enc_i(p, i), 0)),
            pl.BlockSpec((_K, dd), lambda p, i: (0, 0)),
            pl.BlockSpec((bn, _K), lambda p, i: (rte_i(p, i), 0)),
            pl.BlockSpec((bn, _K), lambda p, i: (rte_i(p, i), 0)),
            pl.BlockSpec((_K, dd), lambda p, i: (0, 0)),
        ],
        out_shape=[
            jax.ShapeDtypeStruct((n, dd), jnp.float32),
            jax.ShapeDtypeStruct((_K, dd), jnp.float32),
            jax.ShapeDtypeStruct((n, _K), jnp.float32),
            jax.ShapeDtypeStruct((n, _K), jnp.float32),
            jax.ShapeDtypeStruct((_K, dd), jnp.float32),
        ],
        scratch_shapes=[
            pltpu.VMEM((n, dd), jnp.float32),
            pltpu.VMEM((_K, dh), jnp.float32),
            pltpu.VMEM((_K, _K), jnp.float32),
        ],
    )(h, h, w, comm2)


def kernel(x, edge_index, comm_ids, W_enc):
    n, d = x.shape
    e = edge_index.shape[1]
    dh = d // 2
    equad = _NSUB * _WIN * 4
    nwin2 = 2 * (-(-e // equad))
    nwin = 2 * nwin2
    pad = nwin * _WIN * _NSUB - e

    src = edge_index[0]
    dst = edge_index[1]
    if pad:
        padi = jnp.arange(pad, dtype=jnp.int32)
        src = jnp.concatenate([src, padi % jnp.int32(min(n, 4096))])
        dst = jnp.concatenate([dst, n + (padi % _GARB)])
    x0p = x[:, :dh]
    x1p = x[:, dh:]
    esrc = src.reshape(_NSUB, nwin * _WIN)
    edst = dst.reshape(_NSUB, nwin2, 2, _WIN)
    h = _sc_agg(x0p, x1p, esrc, edst, n, dh, nwin2)

    bn = 1000
    comm2 = comm_ids.reshape(n, 1)
    pos_z, mu, dist, r, u = _fused_tc(h, W_enc, comm2, n, dh, bn, 30.0)
    return (pos_z, mu, r, dist, u)

# --- scband reference (transcript-rebuilt; emitter-appended) ---
"""Pipeline reference for scband-deep-graph-infomax-2860448219919 (READ-ONLY COPY).

The authoritative reference and input builder live on the scoring server;
editing this copy changes nothing except your own understanding.
"""

import jax, jax.numpy as jnp
import numpy as np

N = 10000
E = 160000
D = 256
K = 16
CLUSTER_TEMP = 30.0


def setup_inputs(seed: int = 0) -> dict:
    key = jax.random.key(seed)
    k1, k2, k3, k4 = jax.random.split(key, 4)
    x = jax.random.normal(k1, (N, D), dtype=jnp.float32)
    edge_index = jax.random.randint(k2, (2, E), 0, N, dtype=jnp.int32)
    comm_ids = jax.random.randint(k3, (N,), 0, K, dtype=jnp.int32)
    W_enc = jax.random.normal(k4, (D, D), dtype=jnp.float32) * (1.0 / np.sqrt(D))
    return {"x": x, "edge_index": edge_index, "comm_ids": comm_ids, "W_enc": W_enc}


def reference(x, edge_index, comm_ids, W_enc):
    # Encoder E: one-hop GCN-style aggregation + linear + relu
    src = edge_index[0]
    dst = edge_index[1]
    agg = jax.ops.segment_sum(x[src], dst, num_segments=N)
    pos_z = jax.nn.relu((x + agg) @ W_enc)
    # Row-normalize: diag(1/||z||) @ z
    pos_z = pos_z / jnp.maximum(jnp.linalg.norm(pos_z, axis=1, keepdims=True), 1e-12)
    # Community centers mu: mean of pos_z rows per given community (args[2])
    ones = jnp.ones((N,), dtype=pos_z.dtype)
    counts = jax.ops.segment_sum(ones, comm_ids, num_segments=K)
    mu = jax.ops.segment_sum(pos_z, comm_ids, num_segments=K) / jnp.maximum(counts, 1.0)[:, None]
    # Soft cluster assignment
    dist = pos_z @ mu.T
    r = jax.nn.softmax(CLUSTER_TEMP * dist, axis=1)
    r_assign = jnp.argmax(r, axis=1)
    # New cluster means u over argmax assignment (dense equivalent of the
    # per-unique-label python loop; empty clusters yield zero rows)
    counts2 = jax.ops.segment_sum(ones, r_assign, num_segments=K)
    u = jax.ops.segment_sum(pos_z, r_assign, num_segments=K) / jnp.maximum(counts2, 1.0)[:, None]
    return (pos_z, mu, r, dist, u)

if __name__ == "__main__":
    import jax
    _d = setup_inputs()
    print(jax.jit(kernel)(*tuple(_d.values())))

</pallas_src>

<mosaic_0001>
#map = affine_map<(d0, d1) -> (0, 0)>
#map1 = affine_map<(d0, d1) -> (0, 0, 0, 0)>
#map2 = affine_map<(d0, d1) -> (0, 0, 0)>
module attributes {stable_mosaic.version = 14 : i64} {
  func.func @k(%arg0: i32, %arg1: i32, %arg2: memref<10000x128xf32, #tpu.memory_space<hbm>>, %arg3: memref<10000x128xf32, #tpu.memory_space<hbm>>, %arg4: memref<16x10240xi32, #tpu.memory_space<hbm>>, %arg5: memref<16x40x2x128xi32, #tpu.memory_space<hbm>>, %arg6: memref<2x10000x128xf32, #tpu.memory_space<hbm>>, %arg7: memref<10240xi32, #tpu.memory_space<vmem>>, %arg8: memref<2x2x128xi32, #tpu.memory_space<vmem>>, %arg9: memref<2x128x128xf32, #tpu.memory_space<vmem>>, %arg10: memref<10064x128xf32, #tpu.memory_space<vmem_shared>>, %arg11: memref<!tpu.dma_semaphore, #tpu.memory_space<semaphore_mem>>, %arg12: memref<!tpu.dma_semaphore, #tpu.memory_space<semaphore_mem>>, %arg13: memref<!tpu.dma_semaphore, #tpu.memory_space<semaphore_mem>>, %arg14: memref<!tpu.dma_semaphore, #tpu.memory_space<semaphore_mem>>) attributes {dimension_semantics = [#tpu.dimension_semantics<core_parallel>, #tpu.dimension_semantics<subcore_parallel>], iteration_bounds = array<i64: 2, 16>, scalar_prefetch = 0 : i64, scratch_operands = 8 : i64, tpu.core_type = #tpu.core_type<sc_vector_subcore>, window_params = [{transform_indices = #map}, {transform_indices = #map}, {transform_indices = #map}, {transform_indices = #map1}, {transform_indices = #map2}]} {
    %mul3A = arith.constant 624 : i32
    %mul3A_0 = arith.muli %arg1, %mul3A : i32
    "tpu.region"() ({
      %run_scoped3A = tpu.sem_alloc : memref<!tpu.dma_semaphore, #tpu.memory_space<semaphore_mem>>
      %dma_start3A = arith.constant 0 : i32
      %dma_start3A_17 = tpu.memref_slice %arg4[%arg1, %dma_start3A] : memref<16x10240xi32, #tpu.memory_space<hbm>> -> memref<1x10240xi32, #tpu.memory_space<hbm>>
      %dma_start3A_18 = tpu.memref_squeeze %dma_start3A_17 : memref<1x10240xi32, #tpu.memory_space<hbm>> -> memref<10240xi32, #tpu.memory_space<hbm>>
      %dma_start3A_19 = arith.constant 0 : i32
      %dma_start3A_20 = tpu.memref_slice %arg4[%arg1, %dma_start3A_19] : memref<16x10240xi32, #tpu.memory_space<hbm>> -> memref<1x10240xi32, #tpu.memory_space<hbm>>
      %dma_start3A_21 = tpu.memref_squeeze %dma_start3A_20 : memref<1x10240xi32, #tpu.memory_space<hbm>> -> memref<10240xi32, #tpu.memory_space<hbm>>
      tpu.enqueue_dma source(%dma_start3A_21 : memref<10240xi32, #tpu.memory_space<hbm>>) target(%arg7 : memref<10240xi32, #tpu.memory_space<vmem>>) target_semaphore(%run_scoped3A : memref<!tpu.dma_semaphore, #tpu.memory_space<semaphore_mem>>)
      %dma_wait3A = arith.constant 0 : i32
      %dma_wait3A_22 = tpu.memref_slice %arg4[%arg1, %dma_wait3A] : memref<16x10240xi32, #tpu.memory_space<hbm>> -> memref<1x10240xi32, #tpu.memory_space<hbm>>
      %dma_wait3A_23 = tpu.memref_squeeze %dma_wait3A_22 : memref<1x10240xi32, #tpu.memory_space<hbm>> -> memref<10240xi32, #tpu.memory_space<hbm>>
      %dma_wait3A_24 = arith.constant 0 : i32
      %dma_wait3A_25 = tpu.memref_slice %arg4[%arg1, %dma_wait3A_24] : memref<16x10240xi32, #tpu.memory_space<hbm>> -> memref<1x10240xi32, #tpu.memory_space<hbm>>
      %dma_wait3A_26 = tpu.memref_squeeze %dma_wait3A_25 : memref<1x10240xi32, #tpu.memory_space<hbm>> -> memref<10240xi32, #tpu.memory_space<hbm>>
      tpu.wait_dma2 semaphore(%run_scoped3A : memref<!tpu.dma_semaphore, #tpu.memory_space<semaphore_mem>>) src(%dma_wait3A_26 : memref<10240xi32, #tpu.memory_space<hbm>>) dst(%arg7 : memref<10240xi32, #tpu.memory_space<vmem>>)
      tpu.yield
    }) : () -> ()
    %eq3A = arith.constant 0 : i32
    %eq3A_1 = arith.cmpi eq, %arg0, %eq3A : i32
    %convert_element_type3A = arith.extui %eq3A_1 : i1 to i32
    %cond3A = arith.constant 0 : i32
    %cond3A_2 = arith.cmpi ne, %convert_element_type3A, %cond3A : i32
    scf.if %cond3A_2 {
      %lt3A_17 = arith.constant 15 : i32
      %lt3A_18 = arith.cmpi slt, %arg1, %lt3A_17 : i32
      %convert_element_type3A_19 = arith.extui %lt3A_18 : i1 to i32
      %cond3A_20 = arith.constant 0 : i32
      %cond3A_21 = arith.cmpi ne, %convert_element_type3A_19, %cond3A_20 : i32
      scf.if %cond3A_21 {
        "tpu.region"() ({
          %run_scoped3A = tpu.sem_alloc : memref<!tpu.dma_semaphore, #tpu.memory_space<semaphore_mem>>
          %dma_start3A_59 = arith.constant 0 : i32
          %dma_start3A_60 = tpu.memref_slice %arg10[%mul3A_0, %dma_start3A_59] : memref<10064x128xf32, #tpu.memory_space<vmem_shared>> -> memref<624x128xf32, #tpu.memory_space<vmem_shared>>
          %dma_start3A_61 = arith.constant 0 : i32
          %dma_start3A_62 = tpu.memref_slice %arg2[%mul3A_0, %dma_start3A_61] : memref<10000x128xf32, #tpu.memory_space<hbm>> -> memref<624x128xf32, #tpu.memory_space<hbm>>
          tpu.enqueue_dma source(%dma_start3A_62 : memref<624x128xf32, #tpu.memory_space<hbm>>) target(%dma_start3A_60 : memref<624x128xf32, #tpu.memory_space<vmem_shared>>) target_semaphore(%run_scoped3A : memref<!tpu.dma_semaphore, #tpu.memory_space<semaphore_mem>>)
          %dma_wait3A = arith.constant 0 : i32
          %dma_wait3A_63 = tpu.memref_slice %arg10[%mul3A_0, %dma_wait3A] : memref<10064x128xf32, #tpu.memory_space<vmem_shared>> -> memref<624x128xf32, #tpu.memory_space<vmem_shared>>
          %dma_wait3A_64 = arith.constant 0 : i32
          %dma_wait3A_65 = tpu.memref_slice %arg2[%mul3A_0, %dma_wait3A_64] : memref<10000x128xf32, #tpu.memory_space<hbm>> -> memref<624x128xf32, #tpu.memory_space<hbm>>
          tpu.wait_dma2 semaphore(%run_scoped3A : memref<!tpu.dma_semaphore, #tpu.memory_space<semaphore_mem>>) src(%dma_wait3A_65 : memref<624x128xf32, #tpu.memory_space<hbm>>) dst(%dma_wait3A_63 : memref<624x128xf32, #tpu.memory_space<vmem_shared>>)
          tpu.yield
        }) : () -> ()
      } else {
      }
      %eq3A_22 = arith.constant 15 : i32
      %eq3A_23 = arith.cmpi eq, %arg1, %eq3A_22 : i32
      %convert_element_type3A_24 = arith.extui %eq3A_23 : i1 to i32
      %cond3A_25 = arith.constant 0 : i32
      %cond3A_26 = arith.cmpi ne, %convert_element_type3A_24, %cond3A_25 : i32
      scf.if %cond3A_26 {
        "tpu.region"() ({
          %run_scoped3A = tpu.sem_alloc : memref<!tpu.dma_semaphore, #tpu.memory_space<semaphore_mem>>
          %dma_start3A_59 = arith.constant 9360 : i32
          %dma_start3A_60 = arith.constant 0 : i32
          %dma_start3A_61 = tpu.memref_slice %arg10[%dma_start3A_59, %dma_start3A_60] : memref<10064x128xf32, #tpu.memory_space<vmem_shared>> -> memref<640x128xf32, #tpu.memory_space<vmem_shared>>
          %dma_start3A_62 = arith.constant 9360 : i32
          %dma_start3A_63 = arith.constant 0 : i32
          %dma_start3A_64 = tpu.memref_slice %arg2[%dma_start3A_62, %dma_start3A_63] : memref<10000x128xf32, #tpu.memory_space<hbm>> -> memref<640x128xf32, #tpu.memory_space<hbm>>
          tpu.enqueue_dma source(%dma_start3A_64 : memref<640x128xf32, #tpu.memory_space<hbm>>) target(%dma_start3A_61 : memref<640x128xf32, #tpu.memory_space<vmem_shared>>) target_semaphore(%run_scoped3A : memref<!tpu.dma_semaphore, #tpu.memory_space<semaphore_mem>>)
          %dma_wait3A = arith.constant 9360 : i32
          %dma_wait3A_65 = arith.constant 0 : i32
          %dma_wait3A_66 = tpu.memref_slice %arg10[%dma_wait3A, %dma_wait3A_65] : memref<10064x128xf32, #tpu.memory_space<vmem_shared>> -> memref<640x128xf32, #tpu.memory_space<vmem_shared>>
          %dma_wait3A_67 = arith.constant 9360 : i32
          %dma_wait3A_68 = arith.constant 0 : i32
          %dma_wait3A_69 = tpu.memref_slice %arg2[%dma_wait3A_67, %dma_wait3A_68] : memref<10000x128xf32, #tpu.memory_space<hbm>> -> memref<640x128xf32, #tpu.memory_space<hbm>>
          tpu.wait_dma2 semaphore(%run_scoped3A : memref<!tpu.dma_semaphore, #tpu.memory_space<semaphore_mem>>) src(%dma_wait3A_69 : memref<640x128xf32, #tpu.memory_space<hbm>>) dst(%dma_wait3A_66 : memref<640x128xf32, #tpu.memory_space<vmem_shared>>)
          tpu.yield
        }) : () -> ()
      } else {
      }
      %barrier3A_27 = arith.constant 0 : index
      tpu.barrier barrier_id(%barrier3A_27)
      %dma_start3A = arith.constant 0 : i32
      %dma_start3A_28 = arith.constant 0 : i32
      %dma_start3A_29 = arith.constant 0 : i32
      %dma_start3A_30 = arith.constant 0 : i32
      %dma_start3A_31 = tpu.memref_slice %arg8[%dma_start3A_28, %dma_start3A_29, %dma_start3A_30] : memref<2x2x128xi32, #tpu.memory_space<vmem>> -> memref<1x2x128xi32, #tpu.memory_space<vmem>>
      %dma_start3A_32 = tpu.memref_squeeze %dma_start3A_31 : memref<1x2x128xi32, #tpu.memory_space<vmem>> -> memref<2x128xi32, #tpu.memory_space<vmem>>
      %dma_start3A_33 = arith.constant 0 : i32
      %dma_start3A_34 = arith.constant 0 : i32
      %dma_start3A_35 = tpu.memref_slice %arg5[%arg1, %dma_start3A, %dma_start3A_33, %dma_start3A_34] : memref<16x40x2x128xi32, #tpu.memory_space<hbm>> -> memref<1x1x2x128xi32, #tpu.memory_space<hbm>>
      %dma_start3A_36 = tpu.memref_squeeze %dma_start3A_35 : memref<1x1x2x128xi32, #tpu.memory_space<hbm>> -> memref<2x128xi32, #tpu.memory_space<hbm>>
      %dma_start3A_37 = arith.constant 0 : i32
      %dma_start3A_38 = arith.constant 0 : i32
      %dma_start3A_39 = tpu.memref_slice %arg8[%dma_start3A_28, %dma_start3A_37, %dma_start3A_38] : memref<2x2x128xi32, #tpu.memory_space<vmem>> -> memref<1x2x128xi32, #tpu.memory_space<vmem>>
      %dma_start3A_40 = tpu.memref_squeeze %dma_start3A_39 : memref<1x2x128xi32, #tpu.memory_space<vmem>> -> memref<2x128xi32, #tpu.memory_space<vmem>>
      %dma_start3A_41 = arith.constant 0 : i32
      %dma_start3A_42 = arith.constant 0 : i32
      %dma_start3A_43 = tpu.memref_slice %arg5[%arg1, %dma_start3A, %dma_start3A_41, %dma_start3A_42] : memref<16x40x2x128xi32, #tpu.memory_space<hbm>> -> memref<1x1x2x128xi32, #tpu.memory_space<hbm>>
      %dma_start3A_44 = tpu.memref_squeeze %dma_start3A_43 : memref<1x1x2x128xi32, #tpu.memory_space<hbm>> -> memref<2x128xi32, #tpu.memory_space<hbm>>
      tpu.enqueue_dma source(%dma_start3A_44 : memref<2x128xi32, #tpu.memory_space<hbm>>) target(%dma_start3A_40 : memref<2x128xi32, #tpu.memory_space<vmem>>) target_semaphore(%arg13 : memref<!tpu.dma_semaphore, #tpu.memory_space<semaphore_mem>>)
      %dma_start3A_45 = arith.constant 0 : i32
      %dma_start3A_46 = arith.constant 0 : i32
      %dma_start3A_47 = arith.constant 0 : i32
      %dma_start3A_48 = tpu.memref_slice %arg9[%dma_start3A_45, %dma_start3A_46, %dma_start3A_47] : memref<2x128x128xf32, #tpu.memory_space<vmem>> -> memref<1x128x128xf32, #tpu.memory_space<vmem>>
      %dma_start3A_49 = tpu.memref_squeeze %dma_start3A_48 : memref<1x128x128xf32, #tpu.memory_space<vmem>> -> memref<128x128xf32, #tpu.memory_space<vmem>>
      %dma_start3A_50 = arith.constant 0 : i32
      %dma_start3A_51 = tpu.memref_slice %arg7[%dma_start3A_50] : memref<10240xi32, #tpu.memory_space<vmem>> -> memref<128xi32, #tpu.memory_space<vmem>>
      %dma_start3A_52 = arith.constant 0 : i32
      %dma_start3A_53 = arith.constant 0 : i32
      %dma_start3A_54 = tpu.memref_slice %arg2[%dma_start3A_52, %dma_start3A_53] : memref<10000x128xf32, #tpu.memory_space<hbm>> -> memref<10000x128xf32, #tpu.memory_space<hbm>>
      tpu.enqueue_indirect_dma source(%dma_start3A_54 : memref<10000x128xf32, #tpu.memory_space<hbm>>) target(%dma_start3A_49 : memref<128x128xf32, #tpu.memory_space<vmem>>) offsets(%dma_start3A_51 : memref<128xi32, #tpu.memory_space<vmem>>) semaphore(%arg11 : memref<!tpu.dma_semaphore, #tpu.memory_space<semaphore_mem>>)
      %scan3A = arith.constant 0 : i32
      %scan3A_55 = arith.constant 20 : i32
      %scan3A_56 = arith.addi %scan3A, %scan3A_55 : i32
      %scan3A_57 = arith.constant 1 : i32
      scf.for %scan3A_59 = %scan3A to %scan3A_56 step %scan3A_57  : i32 {
        %mul3A_60 = arith.constant 2 : i32
        %mul3A_61 = arith.muli %mul3A_60, %scan3A_59 : i32
        %add3A = arith.constant 0 : i32
        %add3A_62 = arith.addi %mul3A_61, %add3A : i32
        %add3A_63 = arith.constant 1 : i32
        %add3A_64 = arith.addi %add3A_62, %add3A_63 : i32
        %lt3A_65 = arith.constant 40 : i32
        %lt3A_66 = arith.cmpi slt, %add3A_64, %lt3A_65 : i32
        %convert_element_type3A_67 = arith.extui %lt3A_66 : i1 to i32
        %cond3A_68 = arith.constant 0 : i32
        %cond3A_69 = arith.cmpi ne, %convert_element_type3A_67, %cond3A_68 : i32
        scf.if %cond3A_69 {
          %add3A_213 = arith.constant 1 : i32
          %add3A_214 = arith.addi %add3A_62, %add3A_213 : i32
          %dma_start3A_215 = arith.constant 1 : i32
          %dma_start3A_216 = arith.constant 0 : i32
          %dma_start3A_217 = arith.constant 0 : i32
          %dma_start3A_218 = tpu.memref_slice %arg8[%dma_start3A_215, %dma_start3A_216, %dma_start3A_217] : memref<2x2x128xi32, #tpu.memory_space<vmem>> -> memref<1x2x128xi32, #tpu.memory_space<vmem>>
          %dma_start3A_219 = tpu.memref_squeeze %dma_start3A_218 : memref<1x2x128xi32, #tpu.memory_space<vmem>> -> memref<2x128xi32, #tpu.memory_space<vmem>>
          %dma_start3A_220 = arith.constant 0 : i32
          %dma_start3A_221 = arith.constant 0 : i32
          %dma_start3A_222 = tpu.memref_slice %arg5[%arg1, %add3A_214, %dma_start3A_220, %dma_start3A_221] : memref<16x40x2x128xi32, #tpu.memory_space<hbm>> -> memref<1x1x2x128xi32, #tpu.memory_space<hbm>>
          %dma_start3A_223 = tpu.memref_squeeze %dma_start3A_222 : memref<1x1x2x128xi32, #tpu.memory_space<hbm>> -> memref<2x128xi32, #tpu.memory_space<hbm>>
          %dma_start3A_224 = arith.constant 0 : i32
          %dma_start3A_225 = arith.constant 0 : i32
          %dma_start3A_226 = tpu.memref_slice %arg8[%dma_start3A_215, %dma_start3A_224, %dma_start3A_225] : memref<2x2x128xi32, #tpu.memory_space<vmem>> -> memref<1x2x128xi32, #tpu.memory_space<vmem>>
          %dma_start3A_227 = tpu.memref_squeeze %dma_start3A_226 : memref<1x2x128xi32, #tpu.memory_space<vmem>> -> memref<2x128xi32, #tpu.memory_space<vmem>>
          %dma_start3A_228 = arith.constant 0 : i32
          %dma_start3A_229 = arith.constant 0 : i32
          %dma_start3A_230 = tpu.memref_slice %arg5[%arg1, %add3A_214, %dma_start3A_228, %dma_start3A_229] : memref<16x40x2x128xi32, #tpu.memory_space<hbm>> -> memref<1x1x2x128xi32, #tpu.memory_space<hbm>>
          %dma_start3A_231 = tpu.memref_squeeze %dma_start3A_230 : memref<1x1x2x128xi32, #tpu.memory_space<hbm>> -> memref<2x128xi32, #tpu.memory_space<hbm>>
          tpu.enqueue_dma source(%dma_start3A_231 : memref<2x128xi32, #tpu.memory_space<hbm>>) target(%dma_start3A_227 : memref<2x128xi32, #tpu.memory_space<vmem>>) target_semaphore(%arg14 : memref<!tpu.dma_semaphore, #tpu.memory_space<semaphore_mem>>)
        } else {
        }
        %dma_wait3A = arith.constant 0 : i32
        %dma_wait3A_70 = arith.constant 0 : i32
        %dma_wait3A_71 = arith.constant 0 : i32
        %dma_wait3A_72 = tpu.memref_slice %arg8[%dma_wait3A, %dma_wait3A_70, %dma_wait3A_71] : memref<2x2x128xi32, #tpu.memory_space<vmem>> -> memref<1x2x128xi32, #tpu.memory_space<vmem>>
        %dma_wait3A_73 = tpu.memref_squeeze %dma_wait3A_72 : memref<1x2x128xi32, #tpu.memory_space<vmem>> -> memref<2x128xi32, #tpu.memory_space<vmem>>
        %dma_wait3A_74 = arith.constant 0 : i32
        %dma_wait3A_75 = arith.constant 0 : i32
        %dma_wait3A_76 = tpu.memref_slice %arg5[%arg1, %add3A_62, %dma_wait3A_74, %dma_wait3A_75] : memref<16x40x2x128xi32, #tpu.memory_space<hbm>> -> memref<1x1x2x128xi32, #tpu.memory_space<hbm>>
        %dma_wait3A_77 = tpu.memref_squeeze %dma_wait3A_76 : memref<1x1x2x128xi32, #tpu.memory_space<hbm>> -> memref<2x128xi32, #tpu.memory_space<hbm>>
        %dma_wait3A_78 = arith.constant 0 : i32
        %dma_wait3A_79 = arith.constant 0 : i32
        %dma_wait3A_80 = tpu.memref_slice %arg8[%dma_wait3A, %dma_wait3A_78, %dma_wait3A_79] : memref<2x2x128xi32, #tpu.memory_space<vmem>> -> memref<1x2x128xi32, #tpu.memory_space<vmem>>
        %dma_wait3A_81 = tpu.memref_squeeze %dma_wait3A_80 : memref<1x2x128xi32, #tpu.memory_space<vmem>> -> memref<2x128xi32, #tpu.memory_space<vmem>>
        %dma_wait3A_82 = arith.constant 0 : i32
        %dma_wait3A_83 = arith.constant 0 : i32
        %dma_wait3A_84 = tpu.memref_slice %arg5[%arg1, %add3A_62, %dma_wait3A_82, %dma_wait3A_83] : memref<16x40x2x128xi32, #tpu.memory_space<hbm>> -> memref<1x1x2x128xi32, #tpu.memory_space<hbm>>
        %dma_wait3A_85 = tpu.memref_squeeze %dma_wait3A_84 : memref<1x1x2x128xi32, #tpu.memory_space<hbm>> -> memref<2x128xi32, #tpu.memory_space<hbm>>
        tpu.wait_dma2 semaphore(%arg13 : memref<!tpu.dma_semaphore, #tpu.memory_space<semaphore_mem>>) src(%dma_wait3A_85 : memref<2x128xi32, #tpu.memory_space<hbm>>) dst(%dma_wait3A_81 : memref<2x128xi32, #tpu.memory_space<vmem>>)
        %mul3A_86 = arith.constant 2 : i32
        %mul3A_87 = arith.muli %mul3A_86, %add3A_62 : i32
        %add3A_88 = arith.constant 0 : i32
        %add3A_89 = arith.addi %mul3A_87, %add3A_88 : i32
        %add3A_90 = arith.constant 1 : i32
        %add3A_91 = arith.addi %add3A_89, %add3A_90 : i32
        %lt3A_92 = arith.constant 80 : i32
        %lt3A_93 = arith.cmpi slt, %add3A_91, %lt3A_92 : i32
        %convert_element_type3A_94 = arith.extui %lt3A_93 : i1 to i32
        %cond3A_95 = arith.constant 0 : i32
        %cond3A_96 = arith.cmpi ne, %convert_element_type3A_94, %cond3A_95 : i32
        scf.if %cond3A_96 {
          %add3A_213 = arith.constant 1 : i32
          %add3A_214 = arith.addi %add3A_89, %add3A_213 : i32
          %mul3A_215 = arith.constant 128 : i32
          %mul3A_216 = arith.muli %add3A_214, %mul3A_215 : i32
          %dma_start3A_217 = arith.constant 1 : i32
          %dma_start3A_218 = arith.constant 0 : i32
          %dma_start3A_219 = arith.constant 0 : i32
          %dma_start3A_220 = tpu.memref_slice %arg9[%dma_start3A_217, %dma_start3A_218, %dma_start3A_219] : memref<2x128x128xf32, #tpu.memory_space<vmem>> -> memref<1x128x128xf32, #tpu.memory_space<vmem>>
          %dma_start3A_221 = tpu.memref_squeeze %dma_start3A_220 : memref<1x128x128xf32, #tpu.memory_space<vmem>> -> memref<128x128xf32, #tpu.memory_space<vmem>>
          %dma_start3A_222 = tpu.memref_slice %arg7[%mul3A_216] : memref<10240xi32, #tpu.memory_space<vmem>> -> memref<128xi32, #tpu.memory_space<vmem>>
          %dma_start3A_223 = arith.constant 0 : i32
          %dma_start3A_224 = arith.constant 0 : i32
          %dma_start3A_225 = tpu.memref_slice %arg2[%dma_start3A_223, %dma_start3A_224] : memref<10000x128xf32, #tpu.memory_space<hbm>> -> memref<10000x128xf32, #tpu.memory_space<hbm>>
          tpu.enqueue_indirect_dma source(%dma_start3A_225 : memref<10000x128xf32, #tpu.memory_space<hbm>>) target(%dma_start3A_221 : memref<128x128xf32, #tpu.memory_space<vmem>>) offsets(%dma_start3A_222 : memref<128xi32, #tpu.memory_space<vmem>>) semaphore(%arg12 : memref<!tpu.dma_semaphore, #tpu.memory_space<semaphore_mem>>)
        } else {
        }
        %mul3A_97 = arith.constant 128 : i32
        %mul3A_98 = arith.muli %add3A_89, %mul3A_97 : i32
        %dma_wait3A_99 = arith.constant 0 : i32
        %dma_wait3A_100 = arith.constant 0 : i32
        %dma_wait3A_101 = arith.constant 0 : i32
        %dma_wait3A_102 = tpu.memref_slice %arg9[%dma_wait3A_99, %dma_wait3A_100, %dma_wait3A_101] : memref<2x128x128xf32, #tpu.memory_space<vmem>> -> memref<1x128x128xf32, #tpu.memory_space<vmem>>
        %dma_wait3A_103 = tpu.memref_squeeze %dma_wait3A_102 : memref<1x128x128xf32, #tpu.memory_space<vmem>> -> memref<128x128xf32, #tpu.memory_space<vmem>>
        %dma_wait3A_104 = tpu.memref_slice %arg7[%mul3A_98] : memref<10240xi32, #tpu.memory_space<vmem>> -> memref<128xi32, #tpu.memory_space<vmem>>
        %dma_wait3A_105 = arith.constant 0 : i32
        %dma_wait3A_106 = arith.constant 0 : i32
        %dma_wait3A_107 = tpu.memref_slice %arg2[%dma_wait3A_105, %dma_wait3A_106] : memref<10000x128xf32, #tpu.memory_space<hbm>> -> memref<10000x128xf32, #tpu.memory_space<hbm>>
        tpu.wait_indirect_dma semaphore(%arg11 : memref<!tpu.dma_semaphore, #tpu.memory_space<semaphore_mem>>) src(%dma_wait3A_107 : memref<10000x128xf32, #tpu.memory_space<hbm>>) dst(%dma_wait3A_103 : memref<128x128xf32, #tpu.memory_space<vmem>>)
        %run_scoped3A = arith.constant 0 : i32
        %run_scoped3A_108 = arith.constant 0 : i32
        %run_scoped3A_109 = arith.constant 0 : i32
        "tpu.region"() ({
          %run_scoped3A_213 = tpu.sem_alloc : memref<!tpu.dma_semaphore, #tpu.memory_space<semaphore_mem>>
          %dma_start3A_214 = arith.constant 0 : i32
          %dma_start3A_215 = arith.constant 0 : i32
          %dma_start3A_216 = tpu.memref_slice %arg9[%run_scoped3A, %dma_start3A_214, %dma_start3A_215] : memref<2x128x128xf32, #tpu.memory_space<vmem>> -> memref<1x128x128xf32, #tpu.memory_space<vmem>>
          %dma_start3A_217 = tpu.memref_squeeze %dma_start3A_216 : memref<1x128x128xf32, #tpu.memory_space<vmem>> -> memref<128x128xf32, #tpu.memory_space<vmem>>
          %dma_start3A_218 = arith.constant 0 : i32
          %dma_start3A_219 = tpu.memref_slice %arg8[%run_scoped3A_108, %run_scoped3A_109, %dma_start3A_218] : memref<2x2x128xi32, #tpu.memory_space<vmem>> -> memref<1x1x128xi32, #tpu.memory_space<vmem>>
          %dma_start3A_220 = tpu.memref_squeeze %dma_start3A_219 : memref<1x1x128xi32, #tpu.memory_space<vmem>> -> memref<128xi32, #tpu.memory_space<vmem>>
          %dma_start3A_221 = arith.constant 0 : i32
          %dma_start3A_222 = arith.constant 0 : i32
          %dma_start3A_223 = tpu.memref_slice %arg10[%dma_start3A_221, %dma_start3A_222] : memref<10064x128xf32, #tpu.memory_space<vmem_shared>> -> memref<10064x128xf32, #tpu.memory_space<vmem_shared>>
          tpu.enqueue_indirect_dma source(%dma_start3A_217 : memref<128x128xf32, #tpu.memory_space<vmem>>) target(%dma_start3A_223 : memref<10064x128xf32, #tpu.memory_space<vmem_shared>>) offsets(%dma_start3A_220 : memref<128xi32, #tpu.memory_space<vmem>>) semaphore(%run_scoped3A_213 : memref<!tpu.dma_semaphore, #tpu.memory_space<semaphore_mem>>) {add = true}
          %dma_wait3A_224 = arith.constant 0 : i32
          %dma_wait3A_225 = arith.constant 0 : i32
          %dma_wait3A_226 = tpu.memref_slice %arg9[%run_scoped3A, %dma_wait3A_224, %dma_wait3A_225] : memref<2x128x128xf32, #tpu.memory_space<vmem>> -> memref<1x128x128xf32, #tpu.memory_space<vmem>>
          %dma_wait3A_227 = tpu.memref_squeeze %dma_wait3A_226 : memref<1x128x128xf32, #tpu.memory_space<vmem>> -> memref<128x128xf32, #tpu.memory_space<vmem>>
          %dma_wait3A_228 = arith.constant 0 : i32
          %dma_wait3A_229 = tpu.memref_slice %arg8[%run_scoped3A_108, %run_scoped3A_109, %dma_wait3A_228] : memref<2x2x128xi32, #tpu.memory_space<vmem>> -> memref<1x1x128xi32, #tpu.memory_space<vmem>>
          %dma_wait3A_230 = tpu.memref_squeeze %dma_wait3A_229 : memref<1x1x128xi32, #tpu.memory_space<vmem>> -> memref<128xi32, #tpu.memory_space<vmem>>
          %dma_wait3A_231 = arith.constant 0 : i32
          %dma_wait3A_232 = arith.constant 0 : i32
          %dma_wait3A_233 = tpu.memref_slice %arg10[%dma_wait3A_231, %dma_wait3A_232] : memref<10064x128xf32, #tpu.memory_space<vmem_shared>> -> memref<10064x128xf32, #tpu.memory_space<vmem_shared>>
          tpu.wait_indirect_dma semaphore(%run_scoped3A_213 : memref<!tpu.dma_semaphore, #tpu.memory_space<semaphore_mem>>) src(%dma_wait3A_227 : memref<128x128xf32, #tpu.memory_space<vmem>>) dst(%dma_wait3A_233 : memref<10064x128xf32, #tpu.memory_space<vmem_shared>>)
          tpu.yield
        }) : () -> ()
        %mul3A_110 = arith.constant 2 : i32
        %mul3A_111 = arith.muli %mul3A_110, %add3A_62 : i32
        %add3A_112 = arith.constant 1 : i32
        %add3A_113 = arith.addi %mul3A_111, %add3A_112 : i32
        %add3A_114 = arith.constant 1 : i32
        %add3A_115 = arith.addi %add3A_113, %add3A_114 : i32
        %lt3A_116 = arith.constant 80 : i32
        %lt3A_117 = arith.cmpi slt, %add3A_115, %lt3A_116 : i32
        %convert_element_type3A_118 = arith.extui %lt3A_117 : i1 to i32
        %cond3A_119 = arith.constant 0 : i32
        %cond3A_120 = arith.cmpi ne, %convert_element_type3A_118, %cond3A_119 : i32
        scf.if %cond3A_120 {
          %add3A_213 = arith.constant 1 : i32
          %add3A_214 = arith.addi %add3A_113, %add3A_213 : i32
          %mul3A_215 = arith.constant 128 : i32
          %mul3A_216 = arith.muli %add3A_214, %mul3A_215 : i32
          %dma_start3A_217 = arith.constant 0 : i32
          %dma_start3A_218 = arith.constant 0 : i32
          %dma_start3A_219 = arith.constant 0 : i32
          %dma_start3A_220 = tpu.memref_slice %arg9[%dma_start3A_217, %dma_start3A_218, %dma_start3A_219] : memref<2x128x128xf32, #tpu.memory_space<vmem>> -> memref<1x128x128xf32, #tpu.memory_space<vmem>>
          %dma_start3A_221 = tpu.memref_squeeze %dma_start3A_220 : memref<1x128x128xf32, #tpu.memory_space<vmem>> -> memref<128x128xf32, #tpu.memory_space<vmem>>
          %dma_start3A_222 = tpu.memref_slice %arg7[%mul3A_216] : memref<10240xi32, #tpu.memory_space<vmem>> -> memref<128xi32, #tpu.memory_space<vmem>>
          %dma_start3A_223 = arith.constant 0 : i32
          %dma_start3A_224 = arith.constant 0 : i32
          %dma_start3A_225 = tpu.memref_slice %arg2[%dma_start3A_223, %dma_start3A_224] : memref<10000x128xf32, #tpu.memory_space<hbm>> -> memref<10000x128xf32, #tpu.memory_space<hbm>>
          tpu.enqueue_indirect_dma source(%dma_start3A_225 : memref<10000x128xf32, #tpu.memory_space<hbm>>) target(%dma_start3A_221 : memref<128x128xf32, #tpu.memory_space<vmem>>) offsets(%dma_start3A_222 : memref<128xi32, #tpu.memory_space<vmem>>) semaphore(%arg11 : memref<!tpu.dma_semaphore, #tpu.memory_space<semaphore_mem>>)
        } else {
        }
        %mul3A_121 = arith.constant 128 : i32
        %mul3A_122 = arith.muli %add3A_113, %mul3A_121 : i32
        %dma_wait3A_123 = arith.constant 1 : i32
        %dma_wait3A_124 = arith.constant 0 : i32
        %dma_wait3A_125 = arith.constant 0 : i32
        %dma_wait3A_126 = tpu.memref_slice %arg9[%dma_wait3A_123, %dma_wait3A_124, %dma_wait3A_125] : memref<2x128x128xf32, #tpu.memory_space<vmem>> -> memref<1x128x128xf32, #tpu.memory_space<vmem>>
        %dma_wait3A_127 = tpu.memref_squeeze %dma_wait3A_126 : memref<1x128x128xf32, #tpu.memory_space<vmem>> -> memref<128x128xf32, #tpu.memory_space<vmem>>
        %dma_wait3A_128 = tpu.memref_slice %arg7[%mul3A_122] : memref<10240xi32, #tpu.memory_space<vmem>> -> memref<128xi32, #tpu.memory_space<vmem>>
        %dma_wait3A_129 = arith.constant 0 : i32
        %dma_wait3A_130 = arith.constant 0 : i32
        %dma_wait3A_131 = tpu.memref_slice %arg2[%dma_wait3A_129, %dma_wait3A_130] : memref<10000x128xf32, #tpu.memory_space<hbm>> -> memref<10000x128xf32, #tpu.memory_space<hbm>>
        tpu.wait_indirect_dma semaphore(%arg12 : memref<!tpu.dma_semaphore, #tpu.memory_space<semaphore_mem>>) src(%dma_wait3A_131 : memref<10000x128xf32, #tpu.memory_space<hbm>>) dst(%dma_wait3A_127 : memref<128x128xf32, #tpu.memory_space<vmem>>)
        %run_scoped3A_132 = arith.constant 1 : i32
        %run_scoped3A_133 = arith.constant 0 : i32
        %run_scoped3A_134 = arith.constant 1 : i32
        "tpu.region"() ({
          %run_scoped3A_213 = tpu.sem_alloc : memref<!tpu.dma_semaphore, #tpu.memory_space<semaphore_mem>>
          %dma_start3A_214 = arith.constant 0 : i32
          %dma_start3A_215 = arith.constant 0 : i32
          %dma_start3A_216 = tpu.memref_slice %arg9[%run_scoped3A_132, %dma_start3A_214, %dma_start3A_215] : memref<2x128x128xf32, #tpu.memory_space<vmem>> -> memref<1x128x128xf32, #tpu.memory_space<vmem>>
          %dma_start3A_217 = tpu.memref_squeeze %dma_start3A_216 : memref<1x128x128xf32, #tpu.memory_space<vmem>> -> memref<128x128xf32, #tpu.memory_space<vmem>>
          %dma_start3A_218 = arith.constant 0 : i32
          %dma_start3A_219 = tpu.memref_slice %arg8[%run_scoped3A_133, %run_scoped3A_134, %dma_start3A_218] : memref<2x2x128xi32, #tpu.memory_space<vmem>> -> memref<1x1x128xi32, #tpu.memory_space<vmem>>
          %dma_start3A_220 = tpu.memref_squeeze %dma_start3A_219 : memref<1x1x128xi32, #tpu.memory_space<vmem>> -> memref<128xi32, #tpu.memory_space<vmem>>
          %dma_start3A_221 = arith.constant 0 : i32
          %dma_start3A_222 = arith.constant 0 : i32
          %dma_start3A_223 = tpu.memref_slice %arg10[%dma_start3A_221, %dma_start3A_222] : memref<10064x128xf32, #tpu.memory_space<vmem_shared>> -> memref<10064x128xf32, #tpu.memory_space<vmem_shared>>
          tpu.enqueue_indirect_dma source(%dma_start3A_217 : memref<128x128xf32, #tpu.memory_space<vmem>>) target(%dma_start3A_223 : memref<10064x128xf32, #tpu.memory_space<vmem_shared>>) offsets(%dma_start3A_220 : memref<128xi32, #tpu.memory_space<vmem>>) semaphore(%run_scoped3A_213 : memref<!tpu.dma_semaphore, #tpu.memory_space<semaphore_mem>>) {add = true}
          %dma_wait3A_224 = arith.constant 0 : i32
          %dma_wait3A_225 = arith.constant 0 : i32
          %dma_wait3A_226 = tpu.memref_slice %arg9[%run_scoped3A_132, %dma_wait3A_224, %dma_wait3A_225] : memref<2x128x128xf32, #tpu.memory_space<vmem>> -> memref<1x128x128xf32, #tpu.memory_space<vmem>>
          %dma_wait3A_227 = tpu.memref_squeeze %dma_wait3A_226 : memref<1x128x128xf32, #tpu.memory_space<vmem>> -> memref<128x128xf32, #tpu.memory_space<vmem>>
          %dma_wait3A_228 = arith.constant 0 : i32
          %dma_wait3A_229 = tpu.memref_slice %arg8[%run_scoped3A_133, %run_scoped3A_134, %dma_wait3A_228] : memref<2x2x128xi32, #tpu.memory_space<vmem>> -> memref<1x1x128xi32, #tpu.memory_space<vmem>>
          %dma_wait3A_230 = tpu.memref_squeeze %dma_wait3A_229 : memref<1x1x128xi32, #tpu.memory_space<vmem>> -> memref<128xi32, #tpu.memory_space<vmem>>
          %dma_wait3A_231 = arith.constant 0 : i32
          %dma_wait3A_232 = arith.constant 0 : i32
          %dma_wait3A_233 = tpu.memref_slice %arg10[%dma_wait3A_231, %dma_wait3A_232] : memref<10064x128xf32, #tpu.memory_space<vmem_shared>> -> memref<10064x128xf32, #tpu.memory_space<vmem_shared>>
          tpu.wait_indirect_dma semaphore(%run_scoped3A_213 : memref<!tpu.dma_semaphore, #tpu.memory_space<semaphore_mem>>) src(%dma_wait3A_227 : memref<128x128xf32, #tpu.memory_space<vmem>>) dst(%dma_wait3A_233 : memref<10064x128xf32, #tpu.memory_space<vmem_shared>>)
          tpu.yield
        }) : () -> ()
        %mul3A_135 = arith.constant 2 : i32
        %mul3A_136 = arith.muli %mul3A_135, %scan3A_59 : i32
        %add3A_137 = arith.constant 1 : i32
        %add3A_138 = arith.addi %mul3A_136, %add3A_137 : i32
        %add3A_139 = arith.constant 1 : i32
        %add3A_140 = arith.addi %add3A_138, %add3A_139 : i32
        %lt3A_141 = arith.constant 40 : i32
        %lt3A_142 = arith.cmpi slt, %add3A_140, %lt3A_141 : i32
        %convert_element_type3A_143 = arith.extui %lt3A_142 : i1 to i32
        %cond3A_144 = arith.constant 0 : i32
        %cond3A_145 = arith.cmpi ne, %convert_element_type3A_143, %cond3A_144 : i32
        scf.if %cond3A_145 {
          %add3A_213 = arith.constant 1 : i32
          %add3A_214 = arith.addi %add3A_138, %add3A_213 : i32
          %dma_start3A_215 = arith.constant 0 : i32
          %dma_start3A_216 = arith.constant 0 : i32
          %dma_start3A_217 = arith.constant 0 : i32
          %dma_start3A_218 = tpu.memref_slice %arg8[%dma_start3A_215, %dma_start3A_216, %dma_start3A_217] : memref<2x2x128xi32, #tpu.memory_space<vmem>> -> memref<1x2x128xi32, #tpu.memory_space<vmem>>
          %dma_start3A_219 = tpu.memref_squeeze %dma_start3A_218 : memref<1x2x128xi32, #tpu.memory_space<vmem>> -> memref<2x128xi32, #tpu.memory_space<vmem>>
          %dma_start3A_220 = arith.constant 0 : i32
          %dma_start3A_221 = arith.constant 0 : i32
          %dma_start3A_222 = tpu.memref_slice %arg5[%arg1, %add3A_214, %dma_start3A_220, %dma_start3A_221] : memref<16x40x2x128xi32, #tpu.memory_space<hbm>> -> memref<1x1x2x128xi32, #tpu.memory_space<hbm>>
          %dma_start3A_223 = tpu.memref_squeeze %dma_start3A_222 : memref<1x1x2x128xi32, #tpu.memory_space<hbm>> -> memref<2x128xi32, #tpu.memory_space<hbm>>
          %dma_start3A_224 = arith.constant 0 : i32
          %dma_start3A_225 = arith.constant 0 : i32
          %dma_start3A_226 = tpu.memref_slice %arg8[%dma_start3A_215, %dma_start3A_224, %dma_start3A_225] : memref<2x2x128xi32, #tpu.memory_space<vmem>> -> memref<1x2x128xi32, #tpu.memory_space<vmem>>
          %dma_start3A_227 = tpu.memref_squeeze %dma_start3A_226 : memref<1x2x128xi32, #tpu.memory_space<vmem>> -> memref<2x128xi32, #tpu.memory_space<vmem>>
          %dma_start3A_228 = arith.constant 0 : i32
          %dma_start3A_229 = arith.constant 0 : i32
          %dma_start3A_230 = tpu.memref_slice %arg5[%arg1, %add3A_214, %dma_start3A_228, %dma_start3A_229] : memref<16x40x2x128xi32, #tpu.memory_space<hbm>> -> memref<1x1x2x128xi32, #tpu.memory_space<hbm>>
          %dma_start3A_231 = tpu.memref_squeeze %dma_start3A_230 : memref<1x1x2x128xi32, #tpu.memory_space<hbm>> -> memref<2x128xi32, #tpu.memory_space<hbm>>
          tpu.enqueue_dma source(%dma_start3A_231 : memref<2x128xi32, #tpu.memory_space<hbm>>) target(%dma_start3A_227 : memref<2x128xi32, #tpu.memory_space<vmem>>) target_semaphore(%arg13 : memref<!tpu.dma_semaphore, #tpu.memory_space<semaphore_mem>>)
        } else {
        }
        %dma_wait3A_146 = arith.constant 1 : i32
        %dma_wait3A_147 = arith.constant 0 : i32
        %dma_wait3A_148 = arith.constant 0 : i32
        %dma_wait3A_149 = tpu.memref_slice %arg8[%dma_wait3A_146, %dma_wait3A_147, %dma_wait3A_148] : memref<2x2x128xi32, #tpu.memory_space<vmem>> -> memref<1x2x128xi32, #tpu.memory_space<vmem>>
        %dma_wait3A_150 = tpu.memref_squeeze %dma_wait3A_149 : memref<1x2x128xi32, #tpu.memory_space<vmem>> -> memref<2x128xi32, #tpu.memory_space<vmem>>
        %dma_wait3A_151 = arith.constant 0 : i32
        %dma_wait3A_152 = arith.constant 0 : i32
        %dma_wait3A_153 = tpu.memref_slice %arg5[%arg1, %add3A_138, %dma_wait3A_151, %dma_wait3A_152] : memref<16x40x2x128xi32, #tpu.memory_space<hbm>> -> memref<1x1x2x128xi32, #tpu.memory_space<hbm>>
        %dma_wait3A_154 = tpu.memref_squeeze %dma_wait3A_153 : memref<1x1x2x128xi32, #tpu.memory_space<hbm>> -> memref<2x128xi32, #tpu.memory_space<hbm>>
        %dma_wait3A_155 = arith.constant 0 : i32
        %dma_wait3A_156 = arith.constant 0 : i32
        %dma_wait3A_157 = tpu.memref_slice %arg8[%dma_wait3A_146, %dma_wait3A_155, %dma_wait3A_156] : memref<2x2x128xi32, #tpu.memory_space<vmem>> -> memref<1x2x128xi32, #tpu.memory_space<vmem>>
        %dma_wait3A_158 = tpu.memref_squeeze %dma_wait3A_157 : memref<1x2x128xi32, #tpu.memory_space<vmem>> -> memref<2x128xi32, #tpu.memory_space<vmem>>
        %dma_wait3A_159 = arith.constant 0 : i32
        %dma_wait3A_160 = arith.constant 0 : i32
        %dma_wait3A_161 = tpu.memref_slice %arg5[%arg1, %add3A_138, %dma_wait3A_159, %dma_wait3A_160] : memref<16x40x2x128xi32, #tpu.memory_space<hbm>> -> memref<1x1x2x128xi32, #tpu.memory_space<hbm>>
        %dma_wait3A_162 = tpu.memref_squeeze %dma_wait3A_161 : memref<1x1x2x128xi32, #tpu.memory_space<hbm>> -> memref<2x128xi32, #tpu.memory_space<hbm>>
        tpu.wait_dma2 semaphore(%arg14 : memref<!tpu.dma_semaphore, #tpu.memory_space<semaphore_mem>>) src(%dma_wait3A_162 : memref<2x128xi32, #tpu.memory_space<hbm>>) dst(%dma_wait3A_158 : memref<2x128xi32, #tpu.memory_space<vmem>>)
        %mul3A_163 = arith.constant 2 : i32
        %mul3A_164 = arith.muli %mul3A_163, %add3A_138 : i32
        %add3A_165 = arith.constant 0 : i32
        %add3A_166 = arith.addi %mul3A_164, %add3A_165 : i32
        %add3A_167 = arith.constant 1 : i32
        %add3A_168 = arith.addi %add3A_166, %add3A_167 : i32
        %lt3A_169 = arith.constant 80 : i32
        %lt3A_170 = arith.cmpi slt, %add3A_168, %lt3A_169 : i32
        %convert_element_type3A_171 = arith.extui %lt3A_170 : i1 to i32
        %cond3A_172 = arith.constant 0 : i32
        %cond3A_173 = arith.cmpi ne, %convert_element_type3A_171, %cond3A_172 : i32
        scf.if %cond3A_173 {
          %add3A_213 = arith.constant 1 : i32
          %add3A_214 = arith.addi %add3A_166, %add3A_213 : i32
          %mul3A_215 = arith.constant 128 : i32
          %mul3A_216 = arith.muli %add3A_214, %mul3A_215 : i32
          %dma_start3A_217 = arith.constant 1 : i32
          %dma_start3A_218 = arith.constant 0 : i32
          %dma_start3A_219 = arith.constant 0 : i32
          %dma_start3A_220 = tpu.memref_slice %arg9[%dma_start3A_217, %dma_start3A_218, %dma_start3A_219] : memref<2x128x128xf32, #tpu.memory_space<vmem>> -> memref<1x128x128xf32, #tpu.memory_space<vmem>>
          %dma_start3A_221 = tpu.memref_squeeze %dma_start3A_220 : memref<1x128x128xf32, #tpu.memory_space<vmem>> -> memref<128x128xf32, #tpu.memory_space<vmem>>
          %dma_start3A_222 = tpu.memref_slice %arg7[%mul3A_216] : memref<10240xi32, #tpu.memory_space<vmem>> -> memref<128xi32, #tpu.memory_space<vmem>>
          %dma_start3A_223 = arith.constant 0 : i32
          %dma_start3A_224 = arith.constant 0 : i32
          %dma_start3A_225 = tpu.memref_slice %arg2[%dma_start3A_223, %dma_start3A_224] : memref<10000x128xf32, #tpu.memory_space<hbm>> -> memref<10000x128xf32, #tpu.memory_space<hbm>>
          tpu.enqueue_indirect_dma source(%dma_start3A_225 : memref<10000x128xf32, #tpu.memory_space<hbm>>) target(%dma_start3A_221 : memref<128x128xf32, #tpu.memory_space<vmem>>) offsets(%dma_start3A_222 : memref<128xi32, #tpu.memory_space<vmem>>) semaphore(%arg12 : memref<!tpu.dma_semaphore, #tpu.memory_space<semaphore_mem>>)
        } else {
        }
        %mul3A_174 = arith.constant 128 : i32
        %mul3A_175 = arith.muli %add3A_166, %mul3A_174 : i32
        %dma_wait3A_176 = arith.constant 0 : i32
        %dma_wait3A_177 = arith.constant 0 : i32
        %dma_wait3A_178 = arith.constant 0 : i32
        %dma_wait3A_179 = tpu.memref_slice %arg9[%dma_wait3A_176, %dma_wait3A_177, %dma_wait3A_178] : memref<2x128x128xf32, #tpu.memory_space<vmem>> -> memref<1x128x128xf32, #tpu.memory_space<vmem>>
        %dma_wait3A_180 = tpu.memref_squeeze %dma_wait3A_179 : memref<1x128x128xf32, #tpu.memory_space<vmem>> -> memref<128x128xf32, #tpu.memory_space<vmem>>
        %dma_wait3A_181 = tpu.memref_slice %arg7[%mul3A_175] : memref<10240xi32, #tpu.memory_space<vmem>> -> memref<128xi32, #tpu.memory_space<vmem>>
        %dma_wait3A_182 = arith.constant 0 : i32
        %dma_wait3A_183 = arith.constant 0 : i32
        %dma_wait3A_184 = tpu.memref_slice %arg2[%dma_wait3A_182, %dma_wait3A_183] : memref<10000x128xf32, #tpu.memory_space<hbm>> -> memref<10000x128xf32, #tpu.memory_space<hbm>>
        tpu.wait_indirect_dma semaphore(%arg11 : memref<!tpu.dma_semaphore, #tpu.memory_space<semaphore_mem>>) src(%dma_wait3A_184 : memref<10000x128xf32, #tpu.memory_space<hbm>>) dst(%dma_wait3A_180 : memref<128x128xf32, #tpu.memory_space<vmem>>)
        %run_scoped3A_185 = arith.constant 0 : i32
        %run_scoped3A_186 = arith.constant 1 : i32
        %run_scoped3A_187 = arith.constant 0 : i32
        "tpu.region"() ({
          %run_scoped3A_213 = tpu.sem_alloc : memref<!tpu.dma_semaphore, #tpu.memory_space<semaphore_mem>>
          %dma_start3A_214 = arith.constant 0 : i32
          %dma_start3A_215 = arith.constant 0 : i32
          %dma_start3A_216 = tpu.memref_slice %arg9[%run_scoped3A_185, %dma_start3A_214, %dma_start3A_215] : memref<2x128x128xf32, #tpu.memory_space<vmem>> -> memref<1x128x128xf32, #tpu.memory_space<vmem>>
          %dma_start3A_217 = tpu.memref_squeeze %dma_start3A_216 : memref<1x128x128xf32, #tpu.memory_space<vmem>> -> memref<128x128xf32, #tpu.memory_space<vmem>>
          %dma_start3A_218 = arith.constant 0 : i32
          %dma_start3A_219 = tpu.memref_slice %arg8[%run_scoped3A_186, %run_scoped3A_187, %dma_start3A_218] : memref<2x2x128xi32, #tpu.memory_space<vmem>> -> memref<1x1x128xi32, #tpu.memory_space<vmem>>
          %dma_start3A_220 = tpu.memref_squeeze %dma_start3A_219 : memref<1x1x128xi32, #tpu.memory_space<vmem>> -> memref<128xi32, #tpu.memory_space<vmem>>
          %dma_start3A_221 = arith.constant 0 : i32
          %dma_start3A_222 = arith.constant 0 : i32
          %dma_start3A_223 = tpu.memref_slice %arg10[%dma_start3A_221, %dma_start3A_222] : memref<10064x128xf32, #tpu.memory_space<vmem_shared>> -> memref<10064x128xf32, #tpu.memory_space<vmem_shared>>
          tpu.enqueue_indirect_dma source(%dma_start3A_217 : memref<128x128xf32, #tpu.memory_space<vmem>>) target(%dma_start3A_223 : memref<10064x128xf32, #tpu.memory_space<vmem_shared>>) offsets(%dma_start3A_220 : memref<128xi32, #tpu.memory_space<vmem>>) semaphore(%run_scoped3A_213 : memref<!tpu.dma_semaphore, #tpu.memory_space<semaphore_mem>>) {add = true}
          %dma_wait3A_224 = arith.constant 0 : i32
          %dma_wait3A_225 = arith.constant 0 : i32
          %dma_wait3A_226 = tpu.memref_slice %arg9[%run_scoped3A_185, %dma_wait3A_224, %dma_wait3A_225] : memref<2x128x128xf32, #tpu.memory_space<vmem>> -> memref<1x128x128xf32, #tpu.memory_space<vmem>>
          %dma_wait3A_227 = tpu.memref_squeeze %dma_wait3A_226 : memref<1x128x128xf32, #tpu.memory_space<vmem>> -> memref<128x128xf32, #tpu.memory_space<vmem>>
          %dma_wait3A_228 = arith.constant 0 : i32
          %dma_wait3A_229 = tpu.memref_slice %arg8[%run_scoped3A_186, %run_scoped3A_187, %dma_wait3A_228] : memref<2x2x128xi32, #tpu.memory_space<vmem>> -> memref<1x1x128xi32, #tpu.memory_space<vmem>>
          %dma_wait3A_230 = tpu.memref_squeeze %dma_wait3A_229 : memref<1x1x128xi32, #tpu.memory_space<vmem>> -> memref<128xi32, #tpu.memory_space<vmem>>
          %dma_wait3A_231 = arith.constant 0 : i32
          %dma_wait3A_232 = arith.constant 0 : i32
          %dma_wait3A_233 = tpu.memref_slice %arg10[%dma_wait3A_231, %dma_wait3A_232] : memref<10064x128xf32, #tpu.memory_space<vmem_shared>> -> memref<10064x128xf32, #tpu.memory_space<vmem_shared>>
          tpu.wait_indirect_dma semaphore(%run_scoped3A_213 : memref<!tpu.dma_semaphore, #tpu.memory_space<semaphore_mem>>) src(%dma_wait3A_227 : memref<128x128xf32, #tpu.memory_space<vmem>>) dst(%dma_wait3A_233 : memref<10064x128xf32, #tpu.memory_space<vmem_shared>>)
          tpu.yield
        }) : () -> ()
        %mul3A_188 = arith.constant 2 : i32
        %mul3A_189 = arith.muli %mul3A_188, %add3A_138 : i32
        %add3A_190 = arith.constant 1 : i32
        %add3A_191 = arith.addi %mul3A_189, %add3A_190 : i32
        %add3A_192 = arith.constant 1 : i32
        %add3A_193 = arith.addi %add3A_191, %add3A_192 : i32
        %lt3A_194 = arith.constant 80 : i32
        %lt3A_195 = arith.cmpi slt, %add3A_193, %lt3A_194 : i32
        %convert_element_type3A_196 = arith.extui %lt3A_195 : i1 to i32
        %cond3A_197 = arith.constant 0 : i32
        %cond3A_198 = arith.cmpi ne, %convert_element_type3A_196, %cond3A_197 : i32
        scf.if %cond3A_198 {
          %add3A_213 = arith.constant 1 : i32
          %add3A_214 = arith.addi %add3A_191, %add3A_213 : i32
          %mul3A_215 = arith.constant 128 : i32
          %mul3A_216 = arith.muli %add3A_214, %mul3A_215 : i32
          %dma_start3A_217 = arith.constant 0 : i32
          %dma_start3A_218 = arith.constant 0 : i32
          %dma_start3A_219 = arith.constant 0 : i32
          %dma_start3A_220 = tpu.memref_slice %arg9[%dma_start3A_217, %dma_start3A_218, %dma_start3A_219] : memref<2x128x128xf32, #tpu.memory_space<vmem>> -> memref<1x128x128xf32, #tpu.memory_space<vmem>>
          %dma_start3A_221 = tpu.memref_squeeze %dma_start3A_220 : memref<1x128x128xf32, #tpu.memory_space<vmem>> -> memref<128x128xf32, #tpu.memory_space<vmem>>
          %dma_start3A_222 = tpu.memref_slice %arg7[%mul3A_216] : memref<10240xi32, #tpu.memory_space<vmem>> -> memref<128xi32, #tpu.memory_space<vmem>>
          %dma_start3A_223 = arith.constant 0 : i32
          %dma_start3A_224 = arith.constant 0 : i32
          %dma_start3A_225 = tpu.memref_slice %arg2[%dma_start3A_223, %dma_start3A_224] : memref<10000x128xf32, #tpu.memory_space<hbm>> -> memref<10000x128xf32, #tpu.memory_space<hbm>>
          tpu.enqueue_indirect_dma source(%dma_start3A_225 : memref<10000x128xf32, #tpu.memory_space<hbm>>) target(%dma_start3A_221 : memref<128x128xf32, #tpu.memory_space<vmem>>) offsets(%dma_start3A_222 : memref<128xi32, #tpu.memory_space<vmem>>) semaphore(%arg11 : memref<!tpu.dma_semaphore, #tpu.memory_space<semaphore_mem>>)
        } else {
        }
        %mul3A_199 = arith.constant 128 : i32
        %mul3A_200 = arith.muli %add3A_191, %mul3A_199 : i32
        %dma_wait3A_201 = arith.constant 1 : i32
        %dma_wait3A_202 = arith.constant 0 : i32
        %dma_wait3A_203 = arith.constant 0 : i32
        %dma_wait3A_204 = tpu.memref_slice %arg9[%dma_wait3A_201, %dma_wait3A_202, %dma_wait3A_203] : memref<2x128x128xf32, #tpu.memory_space<vmem>> -> memref<1x128x128xf32, #tpu.memory_space<vmem>>
        %dma_wait3A_205 = tpu.memref_squeeze %dma_wait3A_204 : memref<1x128x128xf32, #tpu.memory_space<vmem>> -> memref<128x128xf32, #tpu.memory_space<vmem>>
        %dma_wait3A_206 = tpu.memref_slice %arg7[%mul3A_200] : memref<10240xi32, #tpu.memory_space<vmem>> -> memref<128xi32, #tpu.memory_space<vmem>>
        %dma_wait3A_207 = arith.constant 0 : i32
        %dma_wait3A_208 = arith.constant 0 : i32
        %dma_wait3A_209 = tpu.memref_slice %arg2[%dma_wait3A_207, %dma_wait3A_208] : memref<10000x128xf32, #tpu.memory_space<hbm>> -> memref<10000x128xf32, #tpu.memory_space<hbm>>
        tpu.wait_indirect_dma semaphore(%arg12 : memref<!tpu.dma_semaphore, #tpu.memory_space<semaphore_mem>>) src(%dma_wait3A_209 : memref<10000x128xf32, #tpu.memory_space<hbm>>) dst(%dma_wait3A_205 : memref<128x128xf32, #tpu.memory_space<vmem>>)
        %run_scoped3A_210 = arith.constant 1 : i32
        %run_scoped3A_211 = arith.constant 1 : i32
        %run_scoped3A_212 = arith.constant 1 : i32
        "tpu.region"() ({
          %run_scoped3A_213 = tpu.sem_alloc : memref<!tpu.dma_semaphore, #tpu.memory_space<semaphore_mem>>
          %dma_start3A_214 = arith.constant 0 : i32
          %dma_start3A_215 = arith.constant 0 : i32
          %dma_start3A_216 = tpu.memref_slice %arg9[%run_scoped3A_210, %dma_start3A_214, %dma_start3A_215] : memref<2x128x128xf32, #tpu.memory_space<vmem>> -> memref<1x128x128xf32, #tpu.memory_space<vmem>>
          %dma_start3A_217 = tpu.memref_squeeze %dma_start3A_216 : memref<1x128x128xf32, #tpu.memory_space<vmem>> -> memref<128x128xf32, #tpu.memory_space<vmem>>
          %dma_start3A_218 = arith.constant 0 : i32
          %dma_start3A_219 = tpu.memref_slice %arg8[%run_scoped3A_211, %run_scoped3A_212, %dma_start3A_218] : memref<2x2x128xi32, #tpu.memory_space<vmem>> -> memref<1x1x128xi32, #tpu.memory_space<vmem>>
          %dma_start3A_220 = tpu.memref_squeeze %dma_start3A_219 : memref<1x1x128xi32, #tpu.memory_space<vmem>> -> memref<128xi32, #tpu.memory_space<vmem>>
          %dma_start3A_221 = arith.constant 0 : i32
          %dma_start3A_222 = arith.constant 0 : i32
          %dma_start3A_223 = tpu.memref_slice %arg10[%dma_start3A_221, %dma_start3A_222] : memref<10064x128xf32, #tpu.memory_space<vmem_shared>> -> memref<10064x128xf32, #tpu.memory_space<vmem_shared>>
          tpu.enqueue_indirect_dma source(%dma_start3A_217 : memref<128x128xf32, #tpu.memory_space<vmem>>) target(%dma_start3A_223 : memref<10064x128xf32, #tpu.memory_space<vmem_shared>>) offsets(%dma_start3A_220 : memref<128xi32, #tpu.memory_space<vmem>>) semaphore(%run_scoped3A_213 : memref<!tpu.dma_semaphore, #tpu.memory_space<semaphore_mem>>) {add = true}
          %dma_wait3A_224 = arith.constant 0 : i32
          %dma_wait3A_225 = arith.constant 0 : i32
          %dma_wait3A_226 = tpu.memref_slice %arg9[%run_scoped3A_210, %dma_wait3A_224, %dma_wait3A_225] : memref<2x128x128xf32, #tpu.memory_space<vmem>> -> memref<1x128x128xf32, #tpu.memory_space<vmem>>
          %dma_wait3A_227 = tpu.memref_squeeze %dma_wait3A_226 : memref<1x128x128xf32, #tpu.memory_space<vmem>> -> memref<128x128xf32, #tpu.memory_space<vmem>>
          %dma_wait3A_228 = arith.constant 0 : i32
          %dma_wait3A_229 = tpu.memref_slice %arg8[%run_scoped3A_211, %run_scoped3A_212, %dma_wait3A_228] : memref<2x2x128xi32, #tpu.memory_space<vmem>> -> memref<1x1x128xi32, #tpu.memory_space<vmem>>
          %dma_wait3A_230 = tpu.memref_squeeze %dma_wait3A_229 : memref<1x1x128xi32, #tpu.memory_space<vmem>> -> memref<128xi32, #tpu.memory_space<vmem>>
          %dma_wait3A_231 = arith.constant 0 : i32
          %dma_wait3A_232 = arith.constant 0 : i32
          %dma_wait3A_233 = tpu.memref_slice %arg10[%dma_wait3A_231, %dma_wait3A_232] : memref<10064x128xf32, #tpu.memory_space<vmem_shared>> -> memref<10064x128xf32, #tpu.memory_space<vmem_shared>>
          tpu.wait_indirect_dma semaphore(%run_scoped3A_213 : memref<!tpu.dma_semaphore, #tpu.memory_space<semaphore_mem>>) src(%dma_wait3A_227 : memref<128x128xf32, #tpu.memory_space<vmem>>) dst(%dma_wait3A_233 : memref<10064x128xf32, #tpu.memory_space<vmem_shared>>)
          tpu.yield
        }) : () -> ()
      }
      %scan3A_58 = arith.constant 20 : i32
    } else {
    }
    %eq3A_3 = arith.constant 1 : i32
    %eq3A_4 = arith.cmpi eq, %arg0, %eq3A_3 : i32
    %convert_element_type3A_5 = arith.extui %eq3A_4 : i1 to i32
    %cond3A_6 = arith.constant 0 : i32
    %cond3A_7 = arith.cmpi ne, %convert_element_type3A_5, %cond3A_6 : i32
    scf.if %cond3A_7 {
      %lt3A_17 = arith.constant 15 : i32
      %lt3A_18 = arith.cmpi slt, %arg1, %lt3A_17 : i32
      %convert_element_type3A_19 = arith.extui %lt3A_18 : i1 to i32
      %cond3A_20 = arith.constant 0 : i32
      %cond3A_21 = arith.cmpi ne, %convert_element_type3A_19, %cond3A_20 : i32
      scf.if %cond3A_21 {
        "tpu.region"() ({
          %run_scoped3A = tpu.sem_alloc : memref<!tpu.dma_semaphore, #tpu.memory_space<semaphore_mem>>
          %dma_start3A_59 = arith.constant 0 : i32
          %dma_start3A_60 = tpu.memref_slice %arg10[%mul3A_0, %dma_start3A_59] : memref<10064x128xf32, #tpu.memory_space<vmem_shared>> -> memref<624x128xf32, #tpu.memory_space<vmem_shared>>
          %dma_start3A_61 = arith.constant 0 : i32
          %dma_start3A_62 = tpu.memref_slice %arg3[%mul3A_0, %dma_start3A_61] : memref<10000x128xf32, #tpu.memory_space<hbm>> -> memref<624x128xf32, #tpu.memory_space<hbm>>
          tpu.enqueue_dma source(%dma_start3A_62 : memref<624x128xf32, #tpu.memory_space<hbm>>) target(%dma_start3A_60 : memref<624x128xf32, #tpu.memory_space<vmem_shared>>) target_semaphore(%run_scoped3A : memref<!tpu.dma_semaphore, #tpu.memory_space<semaphore_mem>>)
          %dma_wait3A = arith.constant 0 : i32
          %dma_wait3A_63 = tpu.memref_slice %arg10[%mul3A_0, %dma_wait3A] : memref<10064x128xf32, #tpu.memory_space<vmem_shared>> -> memref<624x128xf32, #tpu.memory_space<vmem_shared>>
          %dma_wait3A_64 = arith.constant 0 : i32
          %dma_wait3A_65 = tpu.memref_slice %arg3[%mul3A_0, %dma_wait3A_64] : memref<10000x128xf32, #tpu.memory_space<hbm>> -> memref<624x128xf32, #tpu.memory_space<hbm>>
          tpu.wait_dma2 semaphore(%run_scoped3A : memref<!tpu.dma_semaphore, #tpu.memory_space<semaphore_mem>>) src(%dma_wait3A_65 : memref<624x128xf32, #tpu.memory_space<hbm>>) dst(%dma_wait3A_63 : memref<624x128xf32, #tpu.memory_space<vmem_shared>>)
          tpu.yield
        }) : () -> ()
      } else {
      }
      %eq3A_22 = arith.constant 15 : i32
      %eq3A_23 = arith.cmpi eq, %arg1, %eq3A_22 : i32
      %convert_element_type3A_24 = arith.extui %eq3A_23 : i1 to i32
      %cond3A_25 = arith.constant 0 : i32
      %cond3A_26 = arith.cmpi ne, %convert_element_type3A_24, %cond3A_25 : i32
      scf.if %cond3A_26 {
        "tpu.region"() ({
          %run_scoped3A = tpu.sem_alloc : memref<!tpu.dma_semaphore, #tpu.memory_space<semaphore_mem>>
          %dma_start3A_59 = arith.constant 9360 : i32
          %dma_start3A_60 = arith.constant 0 : i32
          %dma_start3A_61 = tpu.memref_slice %arg10[%dma_start3A_59, %dma_start3A_60] : memref<10064x128xf32, #tpu.memory_space<vmem_shared>> -> memref<640x128xf32, #tpu.memory_space<vmem_shared>>
          %dma_start3A_62 = arith.constant 9360 : i32
          %dma_start3A_63 = arith.constant 0 : i32
          %dma_start3A_64 = tpu.memref_slice %arg3[%dma_start3A_62, %dma_start3A_63] : memref<10000x128xf32, #tpu.memory_space<hbm>> -> memref<640x128xf32, #tpu.memory_space<hbm>>
          tpu.enqueue_dma source(%dma_start3A_64 : memref<640x128xf32, #tpu.memory_space<hbm>>) target(%dma_start3A_61 : memref<640x128xf32, #tpu.memory_space<vmem_shared>>) target_semaphore(%run_scoped3A : memref<!tpu.dma_semaphore, #tpu.memory_space<semaphore_mem>>)
          %dma_wait3A = arith.constant 9360 : i32
          %dma_wait3A_65 = arith.constant 0 : i32
          %dma_wait3A_66 = tpu.memref_slice %arg10[%dma_wait3A, %dma_wait3A_65] : memref<10064x128xf32, #tpu.memory_space<vmem_shared>> -> memref<640x128xf32, #tpu.memory_space<vmem_shared>>
          %dma_wait3A_67 = arith.constant 9360 : i32
          %dma_wait3A_68 = arith.constant 0 : i32
          %dma_wait3A_69 = tpu.memref_slice %arg3[%dma_wait3A_67, %dma_wait3A_68] : memref<10000x128xf32, #tpu.memory_space<hbm>> -> memref<640x128xf32, #tpu.memory_space<hbm>>
          tpu.wait_dma2 semaphore(%run_scoped3A : memref<!tpu.dma_semaphore, #tpu.memory_space<semaphore_mem>>) src(%dma_wait3A_69 : memref<640x128xf32, #tpu.memory_space<hbm>>) dst(%dma_wait3A_66 : memref<640x128xf32, #tpu.memory_space<vmem_shared>>)
          tpu.yield
        }) : () -> ()
      } else {
      }
      %barrier3A_27 = arith.constant 0 : index
      tpu.barrier barrier_id(%barrier3A_27)
      %dma_start3A = arith.constant 0 : i32
      %dma_start3A_28 = arith.constant 0 : i32
      %dma_start3A_29 = arith.constant 0 : i32
      %dma_start3A_30 = arith.constant 0 : i32
      %dma_start3A_31 = tpu.memref_slice %arg8[%dma_start3A_28, %dma_start3A_29, %dma_start3A_30] : memref<2x2x128xi32, #tpu.memory_space<vmem>> -> memref<1x2x128xi32, #tpu.memory_space<vmem>>
      %dma_start3A_32 = tpu.memref_squeeze %dma_start3A_31 : memref<1x2x128xi32, #tpu.memory_space<vmem>> -> memref<2x128xi32, #tpu.memory_space<vmem>>
      %dma_start3A_33 = arith.constant 0 : i32
      %dma_start3A_34 = arith.constant 0 : i32
      %dma_start3A_35 = tpu.memref_slice %arg5[%arg1, %dma_start3A, %dma_start3A_33, %dma_start3A_34] : memref<16x40x2x128xi32, #tpu.memory_space<hbm>> -> memref<1x1x2x128xi32, #tpu.memory_space<hbm>>
      %dma_start3A_36 = tpu.memref_squeeze %dma_start3A_35 : memref<1x1x2x128xi32, #tpu.memory_space<hbm>> -> memref<2x128xi32, #tpu.memory_space<hbm>>
      %dma_start3A_37 = arith.constant 0 : i32
      %dma_start3A_38 = arith.constant 0 : i32
      %dma_start3A_39 = tpu.memref_slice %arg8[%dma_start3A_28, %dma_start3A_37, %dma_start3A_38] : memref<2x2x128xi32, #tpu.memory_space<vmem>> -> memref<1x2x128xi32, #tpu.memory_space<vmem>>
      %dma_start3A_40 = tpu.memref_squeeze %dma_start3A_39 : memref<1x2x128xi32, #tpu.memory_space<vmem>> -> memref<2x128xi32, #tpu.memory_space<vmem>>
      %dma_start3A_41 = arith.constant 0 : i32
      %dma_start3A_42 = arith.constant 0 : i32
      %dma_start3A_43 = tpu.memref_slice %arg5[%arg1, %dma_start3A, %dma_start3A_41, %dma_start3A_42] : memref<16x40x2x128xi32, #tpu.memory_space<hbm>> -> memref<1x1x2x128xi32, #tpu.memory_space<hbm>>
      %dma_start3A_44 = tpu.memref_squeeze %dma_start3A_43 : memref<1x1x2x128xi32, #tpu.memory_space<hbm>> -> memref<2x128xi32, #tpu.memory_space<hbm>>
      tpu.enqueue_dma source(%dma_start3A_44 : memref<2x128xi32, #tpu.memory_space<hbm>>) target(%dma_start3A_40 : memref<2x128xi32, #tpu.memory_space<vmem>>) target_semaphore(%arg13 : memref<!tpu.dma_semaphore, #tpu.memory_space<semaphore_mem>>)
      %dma_start3A_45 = arith.constant 0 : i32
      %dma_start3A_46 = arith.constant 0 : i32
      %dma_start3A_47 = arith.constant 0 : i32
      %dma_start3A_48 = tpu.memref_slice %arg9[%dma_start3A_45, %dma_start3A_46, %dma_start3A_47] : memref<2x128x128xf32, #tpu.memory_space<vmem>> -> memref<1x128x128xf32, #tpu.memory_space<vmem>>
      %dma_start3A_49 = tpu.memref_squeeze %dma_start3A_48 : memref<1x128x128xf32, #tpu.memory_space<vmem>> -> memref<128x128xf32, #tpu.memory_space<vmem>>
      %dma_start3A_50 = arith.constant 0 : i32
      %dma_start3A_51 = tpu.memref_slice %arg7[%dma_start3A_50] : memref<10240xi32, #tpu.memory_space<vmem>> -> memref<128xi32, #tpu.memory_space<vmem>>
      %dma_start3A_52 = arith.constant 0 : i32
      %dma_start3A_53 = arith.constant 0 : i32
      %dma_start3A_54 = tpu.memref_slice %arg3[%dma_start3A_52, %dma_start3A_53] : memref<10000x128xf32, #tpu.memory_space<hbm>> -> memref<10000x128xf32, #tpu.memory_space<hbm>>
      tpu.enqueue_indirect_dma source(%dma_start3A_54 : memref<10000x128xf32, #tpu.memory_space<hbm>>) target(%dma_start3A_49 : memref<128x128xf32, #tpu.memory_space<vmem>>) offsets(%dma_start3A_51 : memref<128xi32, #tpu.memory_space<vmem>>) semaphore(%arg11 : memref<!tpu.dma_semaphore, #tpu.memory_space<semaphore_mem>>)
      %scan3A = arith.constant 0 : i32
      %scan3A_55 = arith.constant 20 : i32
      %scan3A_56 = arith.addi %scan3A, %scan3A_55 : i32
      %scan3A_57 = arith.constant 1 : i32
      scf.for %scan3A_59 = %scan3A to %scan3A_56 step %scan3A_57  : i32 {
        %mul3A_60 = arith.constant 2 : i32
        %mul3A_61 = arith.muli %mul3A_60, %scan3A_59 : i32
        %add3A = arith.constant 0 : i32
        %add3A_62 = arith.addi %mul3A_61, %add3A : i32
        %add3A_63 = arith.constant 1 : i32
        %add3A_64 = arith.addi %add3A_62, %add3A_63 : i32
        %lt3A_65 = arith.constant 40 : i32
        %lt3A_66 = arith.cmpi slt, %add3A_64, %lt3A_65 : i32
        %convert_element_type3A_67 = arith.extui %lt3A_66 : i1 to i32
        %cond3A_68 = arith.constant 0 : i32
        %cond3A_69 = arith.cmpi ne, %convert_element_type3A_67, %cond3A_68 : i32
        scf.if %cond3A_69 {
          %add3A_213 = arith.constant 1 : i32
          %add3A_214 = arith.addi %add3A_62, %add3A_213 : i32
          %dma_start3A_215 = arith.constant 1 : i32
          %dma_start3A_216 = arith.constant 0 : i32
          %dma_start3A_217 = arith.constant 0 : i32
          %dma_start3A_218 = tpu.memref_slice %arg8[%dma_start3A_215, %dma_start3A_216, %dma_start3A_217] : memref<2x2x128xi32, #tpu.memory_space<vmem>> -> memref<1x2x128xi32, #tpu.memory_space<vmem>>
          %dma_start3A_219 = tpu.memref_squeeze %dma_start3A_218 : memref<1x2x128xi32, #tpu.memory_space<vmem>> -> memref<2x128xi32, #tpu.memory_space<vmem>>
          %dma_start3A_220 = arith.constant 0 : i32
          %dma_start3A_221 = arith.constant 0 : i32
          %dma_start3A_222 = tpu.memref_slice %arg5[%arg1, %add3A_214, %dma_start3A_220, %dma_start3A_221] : memref<16x40x2x128xi32, #tpu.memory_space<hbm>> -> memref<1x1x2x128xi32, #tpu.memory_space<hbm>>
          %dma_start3A_223 = tpu.memref_squeeze %dma_start3A_222 : memref<1x1x2x128xi32, #tpu.memory_space<hbm>> -> memref<2x128xi32, #tpu.memory_space<hbm>>
          %dma_start3A_224 = arith.constant 0 : i32
          %dma_start3A_225 = arith.constant 0 : i32
          %dma_start3A_226 = tpu.memref_slice %arg8[%dma_start3A_215, %dma_start3A_224, %dma_start3A_225] : memref<2x2x128xi32, #tpu.memory_space<vmem>> -> memref<1x2x128xi32, #tpu.memory_space<vmem>>
          %dma_start3A_227 = tpu.memref_squeeze %dma_start3A_226 : memref<1x2x128xi32, #tpu.memory_space<vmem>> -> memref<2x128xi32, #tpu.memory_space<vmem>>
          %dma_start3A_228 = arith.constant 0 : i32
          %dma_start3A_229 = arith.constant 0 : i32
          %dma_start3A_230 = tpu.memref_slice %arg5[%arg1, %add3A_214, %dma_start3A_228, %dma_start3A_229] : memref<16x40x2x128xi32, #tpu.memory_space<hbm>> -> memref<1x1x2x128xi32, #tpu.memory_space<hbm>>
          %dma_start3A_231 = tpu.memref_squeeze %dma_start3A_230 : memref<1x1x2x128xi32, #tpu.memory_space<hbm>> -> memref<2x128xi32, #tpu.memory_space<hbm>>
          tpu.enqueue_dma source(%dma_start3A_231 : memref<2x128xi32, #tpu.memory_space<hbm>>) target(%dma_start3A_227 : memref<2x128xi32, #tpu.memory_space<vmem>>) target_semaphore(%arg14 : memref<!tpu.dma_semaphore, #tpu.memory_space<semaphore_mem>>)
        } else {
        }
        %dma_wait3A = arith.constant 0 : i32
        %dma_wait3A_70 = arith.constant 0 : i32
        %dma_wait3A_71 = arith.constant 0 : i32
        %dma_wait3A_72 = tpu.memref_slice %arg8[%dma_wait3A, %dma_wait3A_70, %dma_wait3A_71] : memref<2x2x128xi32, #tpu.memory_space<vmem>> -> memref<1x2x128xi32, #tpu.memory_space<vmem>>
        %dma_wait3A_73 = tpu.memref_squeeze %dma_wait3A_72 : memref<1x2x128xi32, #tpu.memory_space<vmem>> -> memref<2x128xi32, #tpu.memory_space<vmem>>
        %dma_wait3A_74 = arith.constant 0 : i32
        %dma_wait3A_75 = arith.constant 0 : i32
        %dma_wait3A_76 = tpu.memref_slice %arg5[%arg1, %add3A_62, %dma_wait3A_74, %dma_wait3A_75] : memref<16x40x2x128xi32, #tpu.memory_space<hbm>> -> memref<1x1x2x128xi32, #tpu.memory_space<hbm>>
        %dma_wait3A_77 = tpu.memref_squeeze %dma_wait3A_76 : memref<1x1x2x128xi32, #tpu.memory_space<hbm>> -> memref<2x128xi32, #tpu.memory_space<hbm>>
        %dma_wait3A_78 = arith.constant 0 : i32
        %dma_wait3A_79 = arith.constant 0 : i32
        %dma_wait3A_80 = tpu.memref_slice %arg8[%dma_wait3A, %dma_wait3A_78, %dma_wait3A_79] : memref<2x2x128xi32, #tpu.memory_space<vmem>> -> memref<1x2x128xi32, #tpu.memory_space<vmem>>
        %dma_wait3A_81 = tpu.memref_squeeze %dma_wait3A_80 : memref<1x2x128xi32, #tpu.memory_space<vmem>> -> memref<2x128xi32, #tpu.memory_space<vmem>>
        %dma_wait3A_82 = arith.constant 0 : i32
        %dma_wait3A_83 = arith.constant 0 : i32
        %dma_wait3A_84 = tpu.memref_slice %arg5[%arg1, %add3A_62, %dma_wait3A_82, %dma_wait3A_83] : memref<16x40x2x128xi32, #tpu.memory_space<hbm>> -> memref<1x1x2x128xi32, #tpu.memory_space<hbm>>
        %dma_wait3A_85 = tpu.memref_squeeze %dma_wait3A_84 : memref<1x1x2x128xi32, #tpu.memory_space<hbm>> -> memref<2x128xi32, #tpu.memory_space<hbm>>
        tpu.wait_dma2 semaphore(%arg13 : memref<!tpu.dma_semaphore, #tpu.memory_space<semaphore_mem>>) src(%dma_wait3A_85 : memref<2x128xi32, #tpu.memory_space<hbm>>) dst(%dma_wait3A_81 : memref<2x128xi32, #tpu.memory_space<vmem>>)
        %mul3A_86 = arith.constant 2 : i32
        %mul3A_87 = arith.muli %mul3A_86, %add3A_62 : i32
        %add3A_88 = arith.constant 0 : i32
        %add3A_89 = arith.addi %mul3A_87, %add3A_88 : i32
        %add3A_90 = arith.constant 1 : i32
        %add3A_91 = arith.addi %add3A_89, %add3A_90 : i32
        %lt3A_92 = arith.constant 80 : i32
        %lt3A_93 = arith.cmpi slt, %add3A_91, %lt3A_92 : i32
        %convert_element_type3A_94 = arith.extui %lt3A_93 : i1 to i32
        %cond3A_95 = arith.constant 0 : i32
        %cond3A_96 = arith.cmpi ne, %convert_element_type3A_94, %cond3A_95 : i32
        scf.if %cond3A_96 {
          %add3A_213 = arith.constant 1 : i32
          %add3A_214 = arith.addi %add3A_89, %add3A_213 : i32
          %mul3A_215 = arith.constant 128 : i32
          %mul3A_216 = arith.muli %add3A_214, %mul3A_215 : i32
          %dma_start3A_217 = arith.constant 1 : i32
          %dma_start3A_218 = arith.constant 0 : i32
          %dma_start3A_219 = arith.constant 0 : i32
          %dma_start3A_220 = tpu.memref_slice %arg9[%dma_start3A_217, %dma_start3A_218, %dma_start3A_219] : memref<2x128x128xf32, #tpu.memory_space<vmem>> -> memref<1x128x128xf32, #tpu.memory_space<vmem>>
          %dma_start3A_221 = tpu.memref_squeeze %dma_start3A_220 : memref<1x128x128xf32, #tpu.memory_space<vmem>> -> memref<128x128xf32, #tpu.memory_space<vmem>>
          %dma_start3A_222 = tpu.memref_slice %arg7[%mul3A_216] : memref<10240xi32, #tpu.memory_space<vmem>> -> memref<128xi32, #tpu.memory_space<vmem>>
          %dma_start3A_223 = arith.constant 0 : i32
          %dma_start3A_224 = arith.constant 0 : i32
          %dma_start3A_225 = tpu.memref_slice %arg3[%dma_start3A_223, %dma_start3A_224] : memref<10000x128xf32, #tpu.memory_space<hbm>> -> memref<10000x128xf32, #tpu.memory_space<hbm>>
          tpu.enqueue_indirect_dma source(%dma_start3A_225 : memref<10000x128xf32, #tpu.memory_space<hbm>>) target(%dma_start3A_221 : memref<128x128xf32, #tpu.memory_space<vmem>>) offsets(%dma_start3A_222 : memref<128xi32, #tpu.memory_space<vmem>>) semaphore(%arg12 : memref<!tpu.dma_semaphore, #tpu.memory_space<semaphore_mem>>)
        } else {
        }
        %mul3A_97 = arith.constant 128 : i32
        %mul3A_98 = arith.muli %add3A_89, %mul3A_97 : i32
        %dma_wait3A_99 = arith.constant 0 : i32
        %dma_wait3A_100 = arith.constant 0 : i32
        %dma_wait3A_101 = arith.constant 0 : i32
        %dma_wait3A_102 = tpu.memref_slice %arg9[%dma_wait3A_99, %dma_wait3A_100, %dma_wait3A_101] : memref<2x128x128xf32, #tpu.memory_space<vmem>> -> memref<1x128x128xf32, #tpu.memory_space<vmem>>
        %dma_wait3A_103 = tpu.memref_squeeze %dma_wait3A_102 : memref<1x128x128xf32, #tpu.memory_space<vmem>> -> memref<128x128xf32, #tpu.memory_space<vmem>>
        %dma_wait3A_104 = tpu.memref_slice %arg7[%mul3A_98] : memref<10240xi32, #tpu.memory_space<vmem>> -> memref<128xi32, #tpu.memory_space<vmem>>
        %dma_wait3A_105 = arith.constant 0 : i32
        %dma_wait3A_106 = arith.constant 0 : i32
        %dma_wait3A_107 = tpu.memref_slice %arg3[%dma_wait3A_105, %dma_wait3A_106] : memref<10000x128xf32, #tpu.memory_space<hbm>> -> memref<10000x128xf32, #tpu.memory_space<hbm>>
        tpu.wait_indirect_dma semaphore(%arg11 : memref<!tpu.dma_semaphore, #tpu.memory_space<semaphore_mem>>) src(%dma_wait3A_107 : memref<10000x128xf32, #tpu.memory_space<hbm>>) dst(%dma_wait3A_103 : memref<128x128xf32, #tpu.memory_space<vmem>>)
        %run_scoped3A = arith.constant 0 : i32
        %run_scoped3A_108 = arith.constant 0 : i32
        %run_scoped3A_109 = arith.constant 0 : i32
        "tpu.region"() ({
          %run_scoped3A_213 = tpu.sem_alloc : memref<!tpu.dma_semaphore, #tpu.memory_space<semaphore_mem>>
          %dma_start3A_214 = arith.constant 0 : i32
          %dma_start3A_215 = arith.constant 0 : i32
          %dma_start3A_216 = tpu.memref_slice %arg9[%run_scoped3A, %dma_start3A_214, %dma_start3A_215] : memref<2x128x128xf32, #tpu.memory_space<vmem>> -> memref<1x128x128xf32, #tpu.memory_space<vmem>>
          %dma_start3A_217 = tpu.memref_squeeze %dma_start3A_216 : memref<1x128x128xf32, #tpu.memory_space<vmem>> -> memref<128x128xf32, #tpu.memory_space<vmem>>
          %dma_start3A_218 = arith.constant 0 : i32
          %dma_start3A_219 = tpu.memref_slice %arg8[%run_scoped3A_108, %run_scoped3A_109, %dma_start3A_218] : memref<2x2x128xi32, #tpu.memory_space<vmem>> -> memref<1x1x128xi32, #tpu.memory_space<vmem>>
          %dma_start3A_220 = tpu.memref_squeeze %dma_start3A_219 : memref<1x1x128xi32, #tpu.memory_space<vmem>> -> memref<128xi32, #tpu.memory_space<vmem>>
          %dma_start3A_221 = arith.constant 0 : i32
          %dma_start3A_222 = arith.constant 0 : i32
          %dma_start3A_223 = tpu.memref_slice %arg10[%dma_start3A_221, %dma_start3A_222] : memref<10064x128xf32, #tpu.memory_space<vmem_shared>> -> memref<10064x128xf32, #tpu.memory_space<vmem_shared>>
          tpu.enqueue_indirect_dma source(%dma_start3A_217 : memref<128x128xf32, #tpu.memory_space<vmem>>) target(%dma_start3A_223 : memref<10064x128xf32, #tpu.memory_space<vmem_shared>>) offsets(%dma_start3A_220 : memref<128xi32, #tpu.memory_space<vmem>>) semaphore(%run_scoped3A_213 : memref<!tpu.dma_semaphore, #tpu.memory_space<semaphore_mem>>) {add = true}
          %dma_wait3A_224 = arith.constant 0 : i32
          %dma_wait3A_225 = arith.constant 0 : i32
          %dma_wait3A_226 = tpu.memref_slice %arg9[%run_scoped3A, %dma_wait3A_224, %dma_wait3A_225] : memref<2x128x128xf32, #tpu.memory_space<vmem>> -> memref<1x128x128xf32, #tpu.memory_space<vmem>>
          %dma_wait3A_227 = tpu.memref_squeeze %dma_wait3A_226 : memref<1x128x128xf32, #tpu.memory_space<vmem>> -> memref<128x128xf32, #tpu.memory_space<vmem>>
          %dma_wait3A_228 = arith.constant 0 : i32
          %dma_wait3A_229 = tpu.memref_slice %arg8[%run_scoped3A_108, %run_scoped3A_109, %dma_wait3A_228] : memref<2x2x128xi32, #tpu.memory_space<vmem>> -> memref<1x1x128xi32, #tpu.memory_space<vmem>>
          %dma_wait3A_230 = tpu.memref_squeeze %dma_wait3A_229 : memref<1x1x128xi32, #tpu.memory_space<vmem>> -> memref<128xi32, #tpu.memory_space<vmem>>
          %dma_wait3A_231 = arith.constant 0 : i32
          %dma_wait3A_232 = arith.constant 0 : i32
          %dma_wait3A_233 = tpu.memref_slice %arg10[%dma_wait3A_231, %dma_wait3A_232] : memref<10064x128xf32, #tpu.memory_space<vmem_shared>> -> memref<10064x128xf32, #tpu.memory_space<vmem_shared>>
          tpu.wait_indirect_dma semaphore(%run_scoped3A_213 : memref<!tpu.dma_semaphore, #tpu.memory_space<semaphore_mem>>) src(%dma_wait3A_227 : memref<128x128xf32, #tpu.memory_space<vmem>>) dst(%dma_wait3A_233 : memref<10064x128xf32, #tpu.memory_space<vmem_shared>>)
          tpu.yield
        }) : () -> ()
        %mul3A_110 = arith.constant 2 : i32
        %mul3A_111 = arith.muli %mul3A_110, %add3A_62 : i32
        %add3A_112 = arith.constant 1 : i32
        %add3A_113 = arith.addi %mul3A_111, %add3A_112 : i32
        %add3A_114 = arith.constant 1 : i32
        %add3A_115 = arith.addi %add3A_113, %add3A_114 : i32
        %lt3A_116 = arith.constant 80 : i32
        %lt3A_117 = arith.cmpi slt, %add3A_115, %lt3A_116 : i32
        %convert_element_type3A_118 = arith.extui %lt3A_117 : i1 to i32
        %cond3A_119 = arith.constant 0 : i32
        %cond3A_120 = arith.cmpi ne, %convert_element_type3A_118, %cond3A_119 : i32
        scf.if %cond3A_120 {
          %add3A_213 = arith.constant 1 : i32
          %add3A_214 = arith.addi %add3A_113, %add3A_213 : i32
          %mul3A_215 = arith.constant 128 : i32
          %mul3A_216 = arith.muli %add3A_214, %mul3A_215 : i32
          %dma_start3A_217 = arith.constant 0 : i32
          %dma_start3A_218 = arith.constant 0 : i32
          %dma_start3A_219 = arith.constant 0 : i32
          %dma_start3A_220 = tpu.memref_slice %arg9[%dma_start3A_217, %dma_start3A_218, %dma_start3A_219] : memref<2x128x128xf32, #tpu.memory_space<vmem>> -> memref<1x128x128xf32, #tpu.memory_space<vmem>>
          %dma_start3A_221 = tpu.memref_squeeze %dma_start3A_220 : memref<1x128x128xf32, #tpu.memory_space<vmem>> -> memref<128x128xf32, #tpu.memory_space<vmem>>
          %dma_start3A_222 = tpu.memref_slice %arg7[%mul3A_216] : memref<10240xi32, #tpu.memory_space<vmem>> -> memref<128xi32, #tpu.memory_space<vmem>>
          %dma_start3A_223 = arith.constant 0 : i32
          %dma_start3A_224 = arith.constant 0 : i32
          %dma_start3A_225 = tpu.memref_slice %arg3[%dma_start3A_223, %dma_start3A_224] : memref<10000x128xf32, #tpu.memory_space<hbm>> -> memref<10000x128xf32, #tpu.memory_space<hbm>>
          tpu.enqueue_indirect_dma source(%dma_start3A_225 : memref<10000x128xf32, #tpu.memory_space<hbm>>) target(%dma_start3A_221 : memref<128x128xf32, #tpu.memory_space<vmem>>) offsets(%dma_start3A_222 : memref<128xi32, #tpu.memory_space<vmem>>) semaphore(%arg11 : memref<!tpu.dma_semaphore, #tpu.memory_space<semaphore_mem>>)
        } else {
        }
        %mul3A_121 = arith.constant 128 : i32
        %mul3A_122 = arith.muli %add3A_113, %mul3A_121 : i32
        %dma_wait3A_123 = arith.constant 1 : i32
        %dma_wait3A_124 = arith.constant 0 : i32
        %dma_wait3A_125 = arith.constant 0 : i32
        %dma_wait3A_126 = tpu.memref_slice %arg9[%dma_wait3A_123, %dma_wait3A_124, %dma_wait3A_125] : memref<2x128x128xf32, #tpu.memory_space<vmem>> -> memref<1x128x128xf32, #tpu.memory_space<vmem>>
        %dma_wait3A_127 = tpu.memref_squeeze %dma_wait3A_126 : memref<1x128x128xf32, #tpu.memory_space<vmem>> -> memref<128x128xf32, #tpu.memory_space<vmem>>
        %dma_wait3A_128 = tpu.memref_slice %arg7[%mul3A_122] : memref<10240xi32, #tpu.memory_space<vmem>> -> memref<128xi32, #tpu.memory_space<vmem>>
        %dma_wait3A_129 = arith.constant 0 : i32
        %dma_wait3A_130 = arith.constant 0 : i32
        %dma_wait3A_131 = tpu.memref_slice %arg3[%dma_wait3A_129, %dma_wait3A_130] : memref<10000x128xf32, #tpu.memory_space<hbm>> -> memref<10000x128xf32, #tpu.memory_space<hbm>>
        tpu.wait_indirect_dma semaphore(%arg12 : memref<!tpu.dma_semaphore, #tpu.memory_space<semaphore_mem>>) src(%dma_wait3A_131 : memref<10000x128xf32, #tpu.memory_space<hbm>>) dst(%dma_wait3A_127 : memref<128x128xf32, #tpu.memory_space<vmem>>)
        %run_scoped3A_132 = arith.constant 1 : i32
        %run_scoped3A_133 = arith.constant 0 : i32
        %run_scoped3A_134 = arith.constant 1 : i32
        "tpu.region"() ({
          %run_scoped3A_213 = tpu.sem_alloc : memref<!tpu.dma_semaphore, #tpu.memory_space<semaphore_mem>>
          %dma_start3A_214 = arith.constant 0 : i32
          %dma_start3A_215 = arith.constant 0 : i32
          %dma_start3A_216 = tpu.memref_slice %arg9[%run_scoped3A_132, %dma_start3A_214, %dma_start3A_215] : memref<2x128x128xf32, #tpu.memory_space<vmem>> -> memref<1x128x128xf32, #tpu.memory_space<vmem>>
          %dma_start3A_217 = tpu.memref_squeeze %dma_start3A_216 : memref<1x128x128xf32, #tpu.memory_space<vmem>> -> memref<128x128xf32, #tpu.memory_space<vmem>>
          %dma_start3A_218 = arith.constant 0 : i32
          %dma_start3A_219 = tpu.memref_slice %arg8[%run_scoped3A_133, %run_scoped3A_134, %dma_start3A_218] : memref<2x2x128xi32, #tpu.memory_space<vmem>> -> memref<1x1x128xi32, #tpu.memory_space<vmem>>
          %dma_start3A_220 = tpu.memref_squeeze %dma_start3A_219 : memref<1x1x128xi32, #tpu.memory_space<vmem>> -> memref<128xi32, #tpu.memory_space<vmem>>
          %dma_start3A_221 = arith.constant 0 : i32
          %dma_start3A_222 = arith.constant 0 : i32
          %dma_start3A_223 = tpu.memref_slice %arg10[%dma_start3A_221, %dma_start3A_222] : memref<10064x128xf32, #tpu.memory_space<vmem_shared>> -> memref<10064x128xf32, #tpu.memory_space<vmem_shared>>
          tpu.enqueue_indirect_dma source(%dma_start3A_217 : memref<128x128xf32, #tpu.memory_space<vmem>>) target(%dma_start3A_223 : memref<10064x128xf32, #tpu.memory_space<vmem_shared>>) offsets(%dma_start3A_220 : memref<128xi32, #tpu.memory_space<vmem>>) semaphore(%run_scoped3A_213 : memref<!tpu.dma_semaphore, #tpu.memory_space<semaphore_mem>>) {add = true}
          %dma_wait3A_224 = arith.constant 0 : i32
          %dma_wait3A_225 = arith.constant 0 : i32
          %dma_wait3A_226 = tpu.memref_slice %arg9[%run_scoped3A_132, %dma_wait3A_224, %dma_wait3A_225] : memref<2x128x128xf32, #tpu.memory_space<vmem>> -> memref<1x128x128xf32, #tpu.memory_space<vmem>>
          %dma_wait3A_227 = tpu.memref_squeeze %dma_wait3A_226 : memref<1x128x128xf32, #tpu.memory_space<vmem>> -> memref<128x128xf32, #tpu.memory_space<vmem>>
          %dma_wait3A_228 = arith.constant 0 : i32
          %dma_wait3A_229 = tpu.memref_slice %arg8[%run_scoped3A_133, %run_scoped3A_134, %dma_wait3A_228] : memref<2x2x128xi32, #tpu.memory_space<vmem>> -> memref<1x1x128xi32, #tpu.memory_space<vmem>>
          %dma_wait3A_230 = tpu.memref_squeeze %dma_wait3A_229 : memref<1x1x128xi32, #tpu.memory_space<vmem>> -> memref<128xi32, #tpu.memory_space<vmem>>
          %dma_wait3A_231 = arith.constant 0 : i32
          %dma_wait3A_232 = arith.constant 0 : i32
          %dma_wait3A_233 = tpu.memref_slice %arg10[%dma_wait3A_231, %dma_wait3A_232] : memref<10064x128xf32, #tpu.memory_space<vmem_shared>> -> memref<10064x128xf32, #tpu.memory_space<vmem_shared>>
          tpu.wait_indirect_dma semaphore(%run_scoped3A_213 : memref<!tpu.dma_semaphore, #tpu.memory_space<semaphore_mem>>) src(%dma_wait3A_227 : memref<128x128xf32, #tpu.memory_space<vmem>>) dst(%dma_wait3A_233 : memref<10064x128xf32, #tpu.memory_space<vmem_shared>>)
          tpu.yield
        }) : () -> ()
        %mul3A_135 = arith.constant 2 : i32
        %mul3A_136 = arith.muli %mul3A_135, %scan3A_59 : i32
        %add3A_137 = arith.constant 1 : i32
        %add3A_138 = arith.addi %mul3A_136, %add3A_137 : i32
        %add3A_139 = arith.constant 1 : i32
        %add3A_140 = arith.addi %add3A_138, %add3A_139 : i32
        %lt3A_141 = arith.constant 40 : i32
        %lt3A_142 = arith.cmpi slt, %add3A_140, %lt3A_141 : i32
        %convert_element_type3A_143 = arith.extui %lt3A_142 : i1 to i32
        %cond3A_144 = arith.constant 0 : i32
        %cond3A_145 = arith.cmpi ne, %convert_element_type3A_143, %cond3A_144 : i32
        scf.if %cond3A_145 {
          %add3A_213 = arith.constant 1 : i32
          %add3A_214 = arith.addi %add3A_138, %add3A_213 : i32
          %dma_start3A_215 = arith.constant 0 : i32
          %dma_start3A_216 = arith.constant 0 : i32
          %dma_start3A_217 = arith.constant 0 : i32
          %dma_start3A_218 = tpu.memref_slice %arg8[%dma_start3A_215, %dma_start3A_216, %dma_start3A_217] : memref<2x2x128xi32, #tpu.memory_space<vmem>> -> memref<1x2x128xi32, #tpu.memory_space<vmem>>
          %dma_start3A_219 = tpu.memref_squeeze %dma_start3A_218 : memref<1x2x128xi32, #tpu.memory_space<vmem>> -> memref<2x128xi32, #tpu.memory_space<vmem>>
          %dma_start3A_220 = arith.constant 0 : i32
          %dma_start3A_221 = arith.constant 0 : i32
          %dma_start3A_222 = tpu.memref_slice %arg5[%arg1, %add3A_214, %dma_start3A_220, %dma_start3A_221] : memref<16x40x2x128xi32, #tpu.memory_space<hbm>> -> memref<1x1x2x128xi32, #tpu.memory_space<hbm>>
          %dma_start3A_223 = tpu.memref_squeeze %dma_start3A_222 : memref<1x1x2x128xi32, #tpu.memory_space<hbm>> -> memref<2x128xi32, #tpu.memory_space<hbm>>
          %dma_start3A_224 = arith.constant 0 : i32
          %dma_start3A_225 = arith.constant 0 : i32
          %dma_start3A_226 = tpu.memref_slice %arg8[%dma_start3A_215, %dma_start3A_224, %dma_start3A_225] : memref<2x2x128xi32, #tpu.memory_space<vmem>> -> memref<1x2x128xi32, #tpu.memory_space<vmem>>
          %dma_start3A_227 = tpu.memref_squeeze %dma_start3A_226 : memref<1x2x128xi32, #tpu.memory_space<vmem>> -> memref<2x128xi32, #tpu.memory_space<vmem>>
          %dma_start3A_228 = arith.constant 0 : i32
          %dma_start3A_229 = arith.constant 0 : i32
          %dma_start3A_230 = tpu.memref_slice %arg5[%arg1, %add3A_214, %dma_start3A_228, %dma_start3A_229] : memref<16x40x2x128xi32, #tpu.memory_space<hbm>> -> memref<1x1x2x128xi32, #tpu.memory_space<hbm>>
          %dma_start3A_231 = tpu.memref_squeeze %dma_start3A_230 : memref<1x1x2x128xi32, #tpu.memory_space<hbm>> -> memref<2x128xi32, #tpu.memory_space<hbm>>
          tpu.enqueue_dma source(%dma_start3A_231 : memref<2x128xi32, #tpu.memory_space<hbm>>) target(%dma_start3A_227 : memref<2x128xi32, #tpu.memory_space<vmem>>) target_semaphore(%arg13 : memref<!tpu.dma_semaphore, #tpu.memory_space<semaphore_mem>>)
        } else {
        }
        %dma_wait3A_146 = arith.constant 1 : i32
        %dma_wait3A_147 = arith.constant 0 : i32
        %dma_wait3A_148 = arith.constant 0 : i32
        %dma_wait3A_149 = tpu.memref_slice %arg8[%dma_wait3A_146, %dma_wait3A_147, %dma_wait3A_148] : memref<2x2x128xi32, #tpu.memory_space<vmem>> -> memref<1x2x128xi32, #tpu.memory_space<vmem>>
        %dma_wait3A_150 = tpu.memref_squeeze %dma_wait3A_149 : memref<1x2x128xi32, #tpu.memory_space<vmem>> -> memref<2x128xi32, #tpu.memory_space<vmem>>
        %dma_wait3A_151 = arith.constant 0 : i32
        %dma_wait3A_152 = arith.constant 0 : i32
        %dma_wait3A_153 = tpu.memref_slice %arg5[%arg1, %add3A_138, %dma_wait3A_151, %dma_wait3A_152] : memref<16x40x2x128xi32, #tpu.memory_space<hbm>> -> memref<1x1x2x128xi32, #tpu.memory_space<hbm>>
        %dma_wait3A_154 = tpu.memref_squeeze %dma_wait3A_153 : memref<1x1x2x128xi32, #tpu.memory_space<hbm>> -> memref<2x128xi32, #tpu.memory_space<hbm>>
        %dma_wait3A_155 = arith.constant 0 : i32
        %dma_wait3A_156 = arith.constant 0 : i32
        %dma_wait3A_157 = tpu.memref_slice %arg8[%dma_wait3A_146, %dma_wait3A_155, %dma_wait3A_156] : memref<2x2x128xi32, #tpu.memory_space<vmem>> -> memref<1x2x128xi32, #tpu.memory_space<vmem>>
        %dma_wait3A_158 = tpu.memref_squeeze %dma_wait3A_157 : memref<1x2x128xi32, #tpu.memory_space<vmem>> -> memref<2x128xi32, #tpu.memory_space<vmem>>
        %dma_wait3A_159 = arith.constant 0 : i32
        %dma_wait3A_160 = arith.constant 0 : i32
        %dma_wait3A_161 = tpu.memref_slice %arg5[%arg1, %add3A_138, %dma_wait3A_159, %dma_wait3A_160] : memref<16x40x2x128xi32, #tpu.memory_space<hbm>> -> memref<1x1x2x128xi32, #tpu.memory_space<hbm>>
        %dma_wait3A_162 = tpu.memref_squeeze %dma_wait3A_161 : memref<1x1x2x128xi32, #tpu.memory_space<hbm>> -> memref<2x128xi32, #tpu.memory_space<hbm>>
        tpu.wait_dma2 semaphore(%arg14 : memref<!tpu.dma_semaphore, #tpu.memory_space<semaphore_mem>>) src(%dma_wait3A_162 : memref<2x128xi32, #tpu.memory_space<hbm>>) dst(%dma_wait3A_158 : memref<2x128xi32, #tpu.memory_space<vmem>>)
        %mul3A_163 = arith.constant 2 : i32
        %mul3A_164 = arith.muli %mul3A_163, %add3A_138 : i32
        %add3A_165 = arith.constant 0 : i32
        %add3A_166 = arith.addi %mul3A_164, %add3A_165 : i32
        %add3A_167 = arith.constant 1 : i32
        %add3A_168 = arith.addi %add3A_166, %add3A_167 : i32
        %lt3A_169 = arith.constant 80 : i32
        %lt3A_170 = arith.cmpi slt, %add3A_168, %lt3A_169 : i32
        %convert_element_type3A_171 = arith.extui %lt3A_170 : i1 to i32
        %cond3A_172 = arith.constant 0 : i32
        %cond3A_173 = arith.cmpi ne, %convert_element_type3A_171, %cond3A_172 : i32
        scf.if %cond3A_173 {
          %add3A_213 = arith.constant 1 : i32
          %add3A_214 = arith.addi %add3A_166, %add3A_213 : i32
          %mul3A_215 = arith.constant 128 : i32
          %mul3A_216 = arith.muli %add3A_214, %mul3A_215 : i32
          %dma_start3A_217 = arith.constant 1 : i32
          %dma_start3A_218 = arith.constant 0 : i32
          %dma_start3A_219 = arith.constant 0 : i32
          %dma_start3A_220 = tpu.memref_slice %arg9[%dma_start3A_217, %dma_start3A_218, %dma_start3A_219] : memref<2x128x128xf32, #tpu.memory_space<vmem>> -> memref<1x128x128xf32, #tpu.memory_space<vmem>>
          %dma_start3A_221 = tpu.memref_squeeze %dma_start3A_220 : memref<1x128x128xf32, #tpu.memory_space<vmem>> -> memref<128x128xf32, #tpu.memory_space<vmem>>
          %dma_start3A_222 = tpu.memref_slice %arg7[%mul3A_216] : memref<10240xi32, #tpu.memory_space<vmem>> -> memref<128xi32, #tpu.memory_space<vmem>>
          %dma_start3A_223 = arith.constant 0 : i32
          %dma_start3A_224 = arith.constant 0 : i32
          %dma_start3A_225 = tpu.memref_slice %arg3[%dma_start3A_223, %dma_start3A_224] : memref<10000x128xf32, #tpu.memory_space<hbm>> -> memref<10000x128xf32, #tpu.memory_space<hbm>>
          tpu.enqueue_indirect_dma source(%dma_start3A_225 : memref<10000x128xf32, #tpu.memory_space<hbm>>) target(%dma_start3A_221 : memref<128x128xf32, #tpu.memory_space<vmem>>) offsets(%dma_start3A_222 : memref<128xi32, #tpu.memory_space<vmem>>) semaphore(%arg12 : memref<!tpu.dma_semaphore, #tpu.memory_space<semaphore_mem>>)
        } else {
        }
        %mul3A_174 = arith.constant 128 : i32
        %mul3A_175 = arith.muli %add3A_166, %mul3A_174 : i32
        %dma_wait3A_176 = arith.constant 0 : i32
        %dma_wait3A_177 = arith.constant 0 : i32
        %dma_wait3A_178 = arith.constant 0 : i32
        %dma_wait3A_179 = tpu.memref_slice %arg9[%dma_wait3A_176, %dma_wait3A_177, %dma_wait3A_178] : memref<2x128x128xf32, #tpu.memory_space<vmem>> -> memref<1x128x128xf32, #tpu.memory_space<vmem>>
        %dma_wait3A_180 = tpu.memref_squeeze %dma_wait3A_179 : memref<1x128x128xf32, #tpu.memory_space<vmem>> -> memref<128x128xf32, #tpu.memory_space<vmem>>
        %dma_wait3A_181 = tpu.memref_slice %arg7[%mul3A_175] : memref<10240xi32, #tpu.memory_space<vmem>> -> memref<128xi32, #tpu.memory_space<vmem>>
        %dma_wait3A_182 = arith.constant 0 : i32
        %dma_wait3A_183 = arith.constant 0 : i32
        %dma_wait3A_184 = tpu.memref_slice %arg3[%dma_wait3A_182, %dma_wait3A_183] : memref<10000x128xf32, #tpu.memory_space<hbm>> -> memref<10000x128xf32, #tpu.memory_space<hbm>>
        tpu.wait_indirect_dma semaphore(%arg11 : memref<!tpu.dma_semaphore, #tpu.memory_space<semaphore_mem>>) src(%dma_wait3A_184 : memref<10000x128xf32, #tpu.memory_space<hbm>>) dst(%dma_wait3A_180 : memref<128x128xf32, #tpu.memory_space<vmem>>)
        %run_scoped3A_185 = arith.constant 0 : i32
        %run_scoped3A_186 = arith.constant 1 : i32
        %run_scoped3A_187 = arith.constant 0 : i32
        "tpu.region"() ({
          %run_scoped3A_213 = tpu.sem_alloc : memref<!tpu.dma_semaphore, #tpu.memory_space<semaphore_mem>>
          %dma_start3A_214 = arith.constant 0 : i32
          %dma_start3A_215 = arith.constant 0 : i32
          %dma_start3A_216 = tpu.memref_slice %arg9[%run_scoped3A_185, %dma_start3A_214, %dma_start3A_215] : memref<2x128x128xf32, #tpu.memory_space<vmem>> -> memref<1x128x128xf32, #tpu.memory_space<vmem>>
          %dma_start3A_217 = tpu.memref_squeeze %dma_start3A_216 : memref<1x128x128xf32, #tpu.memory_space<vmem>> -> memref<128x128xf32, #tpu.memory_space<vmem>>
          %dma_start3A_218 = arith.constant 0 : i32
          %dma_start3A_219 = tpu.memref_slice %arg8[%run_scoped3A_186, %run_scoped3A_187, %dma_start3A_218] : memref<2x2x128xi32, #tpu.memory_space<vmem>> -> memref<1x1x128xi32, #tpu.memory_space<vmem>>
          %dma_start3A_220 = tpu.memref_squeeze %dma_start3A_219 : memref<1x1x128xi32, #tpu.memory_space<vmem>> -> memref<128xi32, #tpu.memory_space<vmem>>
          %dma_start3A_221 = arith.constant 0 : i32
          %dma_start3A_222 = arith.constant 0 : i32
          %dma_start3A_223 = tpu.memref_slice %arg10[%dma_start3A_221, %dma_start3A_222] : memref<10064x128xf32, #tpu.memory_space<vmem_shared>> -> memref<10064x128xf32, #tpu.memory_space<vmem_shared>>
          tpu.enqueue_indirect_dma source(%dma_start3A_217 : memref<128x128xf32, #tpu.memory_space<vmem>>) target(%dma_start3A_223 : memref<10064x128xf32, #tpu.memory_space<vmem_shared>>) offsets(%dma_start3A_220 : memref<128xi32, #tpu.memory_space<vmem>>) semaphore(%run_scoped3A_213 : memref<!tpu.dma_semaphore, #tpu.memory_space<semaphore_mem>>) {add = true}
          %dma_wait3A_224 = arith.constant 0 : i32
          %dma_wait3A_225 = arith.constant 0 : i32
          %dma_wait3A_226 = tpu.memref_slice %arg9[%run_scoped3A_185, %dma_wait3A_224, %dma_wait3A_225] : memref<2x128x128xf32, #tpu.memory_space<vmem>> -> memref<1x128x128xf32, #tpu.memory_space<vmem>>
          %dma_wait3A_227 = tpu.memref_squeeze %dma_wait3A_226 : memref<1x128x128xf32, #tpu.memory_space<vmem>> -> memref<128x128xf32, #tpu.memory_space<vmem>>
          %dma_wait3A_228 = arith.constant 0 : i32
          %dma_wait3A_229 = tpu.memref_slice %arg8[%run_scoped3A_186, %run_scoped3A_187, %dma_wait3A_228] : memref<2x2x128xi32, #tpu.memory_space<vmem>> -> memref<1x1x128xi32, #tpu.memory_space<vmem>>
          %dma_wait3A_230 = tpu.memref_squeeze %dma_wait3A_229 : memref<1x1x128xi32, #tpu.memory_space<vmem>> -> memref<128xi32, #tpu.memory_space<vmem>>
          %dma_wait3A_231 = arith.constant 0 : i32
          %dma_wait3A_232 = arith.constant 0 : i32
          %dma_wait3A_233 = tpu.memref_slice %arg10[%dma_wait3A_231, %dma_wait3A_232] : memref<10064x128xf32, #tpu.memory_space<vmem_shared>> -> memref<10064x128xf32, #tpu.memory_space<vmem_shared>>
          tpu.wait_indirect_dma semaphore(%run_scoped3A_213 : memref<!tpu.dma_semaphore, #tpu.memory_space<semaphore_mem>>) src(%dma_wait3A_227 : memref<128x128xf32, #tpu.memory_space<vmem>>) dst(%dma_wait3A_233 : memref<10064x128xf32, #tpu.memory_space<vmem_shared>>)
          tpu.yield
        }) : () -> ()
        %mul3A_188 = arith.constant 2 : i32
        %mul3A_189 = arith.muli %mul3A_188, %add3A_138 : i32
        %add3A_190 = arith.constant 1 : i32
        %add3A_191 = arith.addi %mul3A_189, %add3A_190 : i32
        %add3A_192 = arith.constant 1 : i32
        %add3A_193 = arith.addi %add3A_191, %add3A_192 : i32
        %lt3A_194 = arith.constant 80 : i32
        %lt3A_195 = arith.cmpi slt, %add3A_193, %lt3A_194 : i32
        %convert_element_type3A_196 = arith.extui %lt3A_195 : i1 to i32
        %cond3A_197 = arith.constant 0 : i32
        %cond3A_198 = arith.cmpi ne, %convert_element_type3A_196, %cond3A_197 : i32
        scf.if %cond3A_198 {
          %add3A_213 = arith.constant 1 : i32
          %add3A_214 = arith.addi %add3A_191, %add3A_213 : i32
          %mul3A_215 = arith.constant 128 : i32
          %mul3A_216 = arith.muli %add3A_214, %mul3A_215 : i32
          %dma_start3A_217 = arith.constant 0 : i32
          %dma_start3A_218 = arith.constant 0 : i32
          %dma_start3A_219 = arith.constant 0 : i32
          %dma_start3A_220 = tpu.memref_slice %arg9[%dma_start3A_217, %dma_start3A_218, %dma_start3A_219] : memref<2x128x128xf32, #tpu.memory_space<vmem>> -> memref<1x128x128xf32, #tpu.memory_space<vmem>>
          %dma_start3A_221 = tpu.memref_squeeze %dma_start3A_220 : memref<1x128x128xf32, #tpu.memory_space<vmem>> -> memref<128x128xf32, #tpu.memory_space<vmem>>
          %dma_start3A_222 = tpu.memref_slice %arg7[%mul3A_216] : memref<10240xi32, #tpu.memory_space<vmem>> -> memref<128xi32, #tpu.memory_space<vmem>>
          %dma_start3A_223 = arith.constant 0 : i32
          %dma_start3A_224 = arith.constant 0 : i32
          %dma_start3A_225 = tpu.memref_slice %arg3[%dma_start3A_223, %dma_start3A_224] : memref<10000x128xf32, #tpu.memory_space<hbm>> -> memref<10000x128xf32, #tpu.memory_space<hbm>>
          tpu.enqueue_indirect_dma source(%dma_start3A_225 : memref<10000x128xf32, #tpu.memory_space<hbm>>) target(%dma_start3A_221 : memref<128x128xf32, #tpu.memory_space<vmem>>) offsets(%dma_start3A_222 : memref<128xi32, #tpu.memory_space<vmem>>) semaphore(%arg11 : memref<!tpu.dma_semaphore, #tpu.memory_space<semaphore_mem>>)
        } else {
        }
        %mul3A_199 = arith.constant 128 : i32
        %mul3A_200 = arith.muli %add3A_191, %mul3A_199 : i32
        %dma_wait3A_201 = arith.constant 1 : i32
        %dma_wait3A_202 = arith.constant 0 : i32
        %dma_wait3A_203 = arith.constant 0 : i32
        %dma_wait3A_204 = tpu.memref_slice %arg9[%dma_wait3A_201, %dma_wait3A_202, %dma_wait3A_203] : memref<2x128x128xf32, #tpu.memory_space<vmem>> -> memref<1x128x128xf32, #tpu.memory_space<vmem>>
        %dma_wait3A_205 = tpu.memref_squeeze %dma_wait3A_204 : memref<1x128x128xf32, #tpu.memory_space<vmem>> -> memref<128x128xf32, #tpu.memory_space<vmem>>
        %dma_wait3A_206 = tpu.memref_slice %arg7[%mul3A_200] : memref<10240xi32, #tpu.memory_space<vmem>> -> memref<128xi32, #tpu.memory_space<vmem>>
        %dma_wait3A_207 = arith.constant 0 : i32
        %dma_wait3A_208 = arith.constant 0 : i32
        %dma_wait3A_209 = tpu.memref_slice %arg3[%dma_wait3A_207, %dma_wait3A_208] : memref<10000x128xf32, #tpu.memory_space<hbm>> -> memref<10000x128xf32, #tpu.memory_space<hbm>>
        tpu.wait_indirect_dma semaphore(%arg12 : memref<!tpu.dma_semaphore, #tpu.memory_space<semaphore_mem>>) src(%dma_wait3A_209 : memref<10000x128xf32, #tpu.memory_space<hbm>>) dst(%dma_wait3A_205 : memref<128x128xf32, #tpu.memory_space<vmem>>)
        %run_scoped3A_210 = arith.constant 1 : i32
        %run_scoped3A_211 = arith.constant 1 : i32
        %run_scoped3A_212 = arith.constant 1 : i32
        "tpu.region"() ({
          %run_scoped3A_213 = tpu.sem_alloc : memref<!tpu.dma_semaphore, #tpu.memory_space<semaphore_mem>>
          %dma_start3A_214 = arith.constant 0 : i32
          %dma_start3A_215 = arith.constant 0 : i32
          %dma_start3A_216 = tpu.memref_slice %arg9[%run_scoped3A_210, %dma_start3A_214, %dma_start3A_215] : memref<2x128x128xf32, #tpu.memory_space<vmem>> -> memref<1x128x128xf32, #tpu.memory_space<vmem>>
          %dma_start3A_217 = tpu.memref_squeeze %dma_start3A_216 : memref<1x128x128xf32, #tpu.memory_space<vmem>> -> memref<128x128xf32, #tpu.memory_space<vmem>>
          %dma_start3A_218 = arith.constant 0 : i32
          %dma_start3A_219 = tpu.memref_slice %arg8[%run_scoped3A_211, %run_scoped3A_212, %dma_start3A_218] : memref<2x2x128xi32, #tpu.memory_space<vmem>> -> memref<1x1x128xi32, #tpu.memory_space<vmem>>
          %dma_start3A_220 = tpu.memref_squeeze %dma_start3A_219 : memref<1x1x128xi32, #tpu.memory_space<vmem>> -> memref<128xi32, #tpu.memory_space<vmem>>
          %dma_start3A_221 = arith.constant 0 : i32
          %dma_start3A_222 = arith.constant 0 : i32
          %dma_start3A_223 = tpu.memref_slice %arg10[%dma_start3A_221, %dma_start3A_222] : memref<10064x128xf32, #tpu.memory_space<vmem_shared>> -> memref<10064x128xf32, #tpu.memory_space<vmem_shared>>
          tpu.enqueue_indirect_dma source(%dma_start3A_217 : memref<128x128xf32, #tpu.memory_space<vmem>>) target(%dma_start3A_223 : memref<10064x128xf32, #tpu.memory_space<vmem_shared>>) offsets(%dma_start3A_220 : memref<128xi32, #tpu.memory_space<vmem>>) semaphore(%run_scoped3A_213 : memref<!tpu.dma_semaphore, #tpu.memory_space<semaphore_mem>>) {add = true}
          %dma_wait3A_224 = arith.constant 0 : i32
          %dma_wait3A_225 = arith.constant 0 : i32
          %dma_wait3A_226 = tpu.memref_slice %arg9[%run_scoped3A_210, %dma_wait3A_224, %dma_wait3A_225] : memref<2x128x128xf32, #tpu.memory_space<vmem>> -> memref<1x128x128xf32, #tpu.memory_space<vmem>>
          %dma_wait3A_227 = tpu.memref_squeeze %dma_wait3A_226 : memref<1x128x128xf32, #tpu.memory_space<vmem>> -> memref<128x128xf32, #tpu.memory_space<vmem>>
          %dma_wait3A_228 = arith.constant 0 : i32
          %dma_wait3A_229 = tpu.memref_slice %arg8[%run_scoped3A_211, %run_scoped3A_212, %dma_wait3A_228] : memref<2x2x128xi32, #tpu.memory_space<vmem>> -> memref<1x1x128xi32, #tpu.memory_space<vmem>>
          %dma_wait3A_230 = tpu.memref_squeeze %dma_wait3A_229 : memref<1x1x128xi32, #tpu.memory_space<vmem>> -> memref<128xi32, #tpu.memory_space<vmem>>
          %dma_wait3A_231 = arith.constant 0 : i32
          %dma_wait3A_232 = arith.constant 0 : i32
          %dma_wait3A_233 = tpu.memref_slice %arg10[%dma_wait3A_231, %dma_wait3A_232] : memref<10064x128xf32, #tpu.memory_space<vmem_shared>> -> memref<10064x128xf32, #tpu.memory_space<vmem_shared>>
          tpu.wait_indirect_dma semaphore(%run_scoped3A_213 : memref<!tpu.dma_semaphore, #tpu.memory_space<semaphore_mem>>) src(%dma_wait3A_227 : memref<128x128xf32, #tpu.memory_space<vmem>>) dst(%dma_wait3A_233 : memref<10064x128xf32, #tpu.memory_space<vmem_shared>>)
          tpu.yield
        }) : () -> ()
      }
      %scan3A_58 = arith.constant 20 : i32
    } else {
    }
    %barrier3A = arith.constant 0 : index
    tpu.barrier barrier_id(%barrier3A)
    %lt3A = arith.constant 15 : i32
    %lt3A_8 = arith.cmpi slt, %arg1, %lt3A : i32
    %convert_element_type3A_9 = arith.extui %lt3A_8 : i1 to i32
    %cond3A_10 = arith.constant 0 : i32
    %cond3A_11 = arith.cmpi ne, %convert_element_type3A_9, %cond3A_10 : i32
    scf.if %cond3A_11 {
      "tpu.region"() ({
        %run_scoped3A = tpu.sem_alloc : memref<!tpu.dma_semaphore, #tpu.memory_space<semaphore_mem>>
        %dma_start3A = arith.constant 0 : i32
        %dma_start3A_17 = tpu.memref_slice %arg6[%arg0, %mul3A_0, %dma_start3A] : memref<2x10000x128xf32, #tpu.memory_space<hbm>> -> memref<1x624x128xf32, #tpu.memory_space<hbm>>
        %dma_start3A_18 = tpu.memref_squeeze %dma_start3A_17 : memref<1x624x128xf32, #tpu.memory_space<hbm>> -> memref<624x128xf32, #tpu.memory_space<hbm>>
        %dma_start3A_19 = arith.constant 0 : i32
        %dma_start3A_20 = tpu.memref_slice %arg10[%mul3A_0, %dma_start3A_19] : memref<10064x128xf32, #tpu.memory_space<vmem_shared>> -> memref<624x128xf32, #tpu.memory_space<vmem_shared>>
        tpu.enqueue_dma source(%dma_start3A_20 : memref<624x128xf32, #tpu.memory_space<vmem_shared>>) target(%dma_start3A_18 : memref<624x128xf32, #tpu.memory_space<hbm>>) target_semaphore(%run_scoped3A : memref<!tpu.dma_semaphore, #tpu.memory_space<semaphore_mem>>)
        %dma_wait3A = arith.constant 0 : i32
        %dma_wait3A_21 = tpu.memref_slice %arg6[%arg0, %mul3A_0, %dma_wait3A] : memref<2x10000x128xf32, #tpu.memory_space<hbm>> -> memref<1x624x128xf32, #tpu.memory_space<hbm>>
        %dma_wait3A_22 = tpu.memref_squeeze %dma_wait3A_21 : memref<1x624x128xf32, #tpu.memory_space<hbm>> -> memref<624x128xf32, #tpu.memory_space<hbm>>
        %dma_wait3A_23 = arith.constant 0 : i32
        %dma_wait3A_24 = tpu.memref_slice %arg10[%mul3A_0, %dma_wait3A_23] : memref<10064x128xf32, #tpu.memory_space<vmem_shared>> -> memref<624x128xf32, #tpu.memory_space<vmem_shared>>
        tpu.wait_dma2 semaphore(%run_scoped3A : memref<!tpu.dma_semaphore, #tpu.memory_space<semaphore_mem>>) src(%dma_wait3A_24 : memref<624x128xf32, #tpu.memory_space<vmem_shared>>) dst(%dma_wait3A_22 : memref<624x128xf32, #tpu.memory_space<hbm>>)
        tpu.yield
      }) : () -> ()
    } else {
    }
    %eq3A_12 = arith.constant 15 : i32
    %eq3A_13 = arith.cmpi eq, %arg1, %eq3A_12 : i32
    %convert_element_type3A_14 = arith.extui %eq3A_13 : i1 to i32
    %cond3A_15 = arith.constant 0 : i32
    %cond3A_16 = arith.cmpi ne, %convert_element_type3A_14, %cond3A_15 : i32
    scf.if %cond3A_16 {
      "tpu.region"() ({
        %run_scoped3A = tpu.sem_alloc : memref<!tpu.dma_semaphore, #tpu.memory_space<semaphore_mem>>
        %dma_start3A = arith.constant 9360 : i32
        %dma_start3A_17 = arith.constant 0 : i32
        %dma_start3A_18 = tpu.memref_slice %arg6[%arg0, %dma_start3A, %dma_start3A_17] : memref<2x10000x128xf32, #tpu.memory_space<hbm>> -> memref<1x640x128xf32, #tpu.memory_space<hbm>>
        %dma_start3A_19 = tpu.memref_squeeze %dma_start3A_18 : memref<1x640x128xf32, #tpu.memory_space<hbm>> -> memref<640x128xf32, #tpu.memory_space<hbm>>
        %dma_start3A_20 = arith.constant 9360 : i32
        %dma_start3A_21 = arith.constant 0 : i32
        %dma_start3A_22 = tpu.memref_slice %arg10[%dma_start3A_20, %dma_start3A_21] : memref<10064x128xf32, #tpu.memory_space<vmem_shared>> -> memref<640x128xf32, #tpu.memory_space<vmem_shared>>
        tpu.enqueue_dma source(%dma_start3A_22 : memref<640x128xf32, #tpu.memory_space<vmem_shared>>) target(%dma_start3A_19 : memref<640x128xf32, #tpu.memory_space<hbm>>) target_semaphore(%run_scoped3A : memref<!tpu.dma_semaphore, #tpu.memory_space<semaphore_mem>>)
        %dma_wait3A = arith.constant 9360 : i32
        %dma_wait3A_23 = arith.constant 0 : i32
        %dma_wait3A_24 = tpu.memref_slice %arg6[%arg0, %dma_wait3A, %dma_wait3A_23] : memref<2x10000x128xf32, #tpu.memory_space<hbm>> -> memref<1x640x128xf32, #tpu.memory_space<hbm>>
        %dma_wait3A_25 = tpu.memref_squeeze %dma_wait3A_24 : memref<1x640x128xf32, #tpu.memory_space<hbm>> -> memref<640x128xf32, #tpu.memory_space<hbm>>
        %dma_wait3A_26 = arith.constant 9360 : i32
        %dma_wait3A_27 = arith.constant 0 : i32
        %dma_wait3A_28 = tpu.memref_slice %arg10[%dma_wait3A_26, %dma_wait3A_27] : memref<10064x128xf32, #tpu.memory_space<vmem_shared>> -> memref<640x128xf32, #tpu.memory_space<vmem_shared>>
        tpu.wait_dma2 semaphore(%run_scoped3A : memref<!tpu.dma_semaphore, #tpu.memory_space<semaphore_mem>>) src(%dma_wait3A_28 : memref<640x128xf32, #tpu.memory_space<vmem_shared>>) dst(%dma_wait3A_25 : memref<640x128xf32, #tpu.memory_space<hbm>>)
        tpu.yield
      }) : () -> ()
    } else {
    }
    return
  }
}

module attributes {stable_mosaic.version = 14 : i64} {
  func.func @body(%arg0: i32, %arg1: i32, %arg2: memref<1x1000x128xf32, #tpu.memory_space<vmem>>, %arg3: memref<1x1000x128xf32, #tpu.memory_space<vmem>>, %arg4: memref<256x256xf32, #tpu.memory_space<vmem>>, %arg5: memref<1000x1xi32, #tpu.memory_space<vmem>>, %arg6: memref<1000x256xf32, #tpu.memory_space<vmem>>, %arg7: memref<16x256xf32, #tpu.memory_space<vmem>>, %arg8: memref<1000x16xf32, #tpu.memory_space<vmem>>, %arg9: memref<1000x16xf32, #tpu.memory_space<vmem>>, %arg10: memref<16x256xf32, #tpu.memory_space<vmem>>, %arg11: memref<10000x256xf32, #tpu.memory_space<vmem>>, %arg12: memref<16x128xf32, #tpu.memory_space<vmem>>, %arg13: memref<16x16xf32, #tpu.memory_space<vmem>>) attributes {dimension_semantics = [#tpu.dimension_semantics<arbitrary>, #tpu.dimension_semantics<arbitrary>], iteration_bounds = array<i64: 2, 10>, scalar_prefetch = 0 : i64, scratch_operands = 3 : i64, tpu.core_type = #tpu.core_type<tc>, window_params = [{transform_indices = @transform_0, window_bounds = array<i64: 1, 1000, 128>}, {transform_indices = @transform_1, window_bounds = array<i64: 1, 1000, 128>}, {pipeline_mode = #tpu.pipeline_mode<synchronous>, transform_indices = @transform_2, window_bounds = array<i64: 256, 256>}, {transform_indices = @transform_3, window_bounds = array<i64: 1000, 1>}, {transform_indices = @transform_4, window_bounds = array<i64: 1000, 256>}, {pipeline_mode = #tpu.pipeline_mode<synchronous>, transform_indices = @transform_5, window_bounds = array<i64: 16, 256>}, {transform_indices = @transform_6, window_bounds = array<i64: 1000, 16>}, {transform_indices = @transform_7, window_bounds = array<i64: 1000, 16>}, {pipeline_mode = #tpu.pipeline_mode<synchronous>, transform_indices = @transform_8, window_bounds = array<i64: 16, 256>}]} {
    %iota3A = tpu.iota {dimensions = array<i32: 1>} : vector<1000x16xi32>
    %eq3A = arith.constant 0 : i32
    %eq3A_0 = arith.cmpi eq, %arg0, %eq3A : i32
    %convert_element_type3A = arith.extui %eq3A_0 : i1 to i32
    %cond3A = arith.constant 0 : i32
    %cond3A_1 = arith.cmpi ne, %convert_element_type3A, %cond3A : i32
    scf.if %cond3A_1 {
      %get3A = arith.constant 0 : index
      %get3A_7 = arith.constant 0 : index
      %get3A_8 = arith.constant 0 : index
      %get3A_9 = vector.load %arg2[%get3A, %get3A_7, %get3A_8] : memref<1x1000x128xf32, #tpu.memory_space<vmem>>, vector<1x1000x128xf32>
      %get3A_10 = vector.shape_cast %get3A_9 : vector<1x1000x128xf32> to vector<1000x128xf32>
      %get3A_11 = arith.constant 0 : index
      %get3A_12 = arith.constant 0 : index
      %get3A_13 = arith.constant 0 : index
      %get3A_14 = vector.load %arg3[%get3A_11, %get3A_12, %get3A_13] : memref<1x1000x128xf32, #tpu.memory_space<vmem>>, vector<1x1000x128xf32>
      %get3A_15 = vector.shape_cast %get3A_14 : vector<1x1000x128xf32> to vector<1000x128xf32>
      %concatenate3A = tpu.concatenate %get3A_10, %get3A_15 in 1 : vector<1000x128xf32>, vector<1000x128xf32> -> vector<1000x256xf32>
      %get3A_16 = arith.constant 0 : index
      %get3A_17 = arith.constant 0 : index
      %get3A_18 = vector.load %arg4[%get3A_16, %get3A_17] : memref<256x256xf32, #tpu.memory_space<vmem>>, vector<256x256xf32>
      %dot_general3A = arith.constant dense<0.000000e+00> : vector<1000x256xf32>
      %dot_general3A_19 = tpu.matmul %concatenate3A, %get3A_18, %dot_general3A {dimension_numbers = #tpu.dot_dimension_numbers<[1], [0], [0], [1], [0, 0, 1, 1], [], []>, transpose_lhs_hint = false} : vector<1000x256xf32>, vector<256x256xf32>, vector<1000x256xf32> -> vector<1000x256xf32>
      %max3A = arith.constant 0.000000e+00 : f32
      %max3A_20 = vector.broadcast %max3A : f32 to vector<1000x256xf32>
      %max3A_21 = arith.maximumf %dot_general3A_19, %max3A_20 : vector<1000x256xf32>
      %mul3A = arith.mulf %max3A_21, %max3A_21 : vector<1000x256xf32>
      %reduce_sum3A = arith.constant dense<0.000000e+00> : vector<1000xf32>
      %reduce_sum3A_22 = vector.multi_reduction <add>, %mul3A, %reduce_sum3A [1] : vector<1000x256xf32> to vector<1000xf32>
      %broadcast_in_dim3A = vector.shape_cast %reduce_sum3A_22 : vector<1000xf32> to vector<1000x1xf32>
      %sqrt3A = math.sqrt %broadcast_in_dim3A : vector<1000x1xf32>
      %max3A_23 = arith.constant 9.99999996E-13 : f32
      %max3A_24 = vector.broadcast %max3A_23 : f32 to vector<1000x1xf32>
      %max3A_25 = arith.maximumf %sqrt3A, %max3A_24 : vector<1000x1xf32>
      %div3A = vector.broadcast %max3A_25 : vector<1000x1xf32> to vector<1000x256xf32>
      %div3A_26 = arith.divf %max3A_21, %div3A : vector<1000x256xf32>
      %swap3A = arith.constant 0 : index
      %swap3A_27 = arith.constant 0 : index
      %swap3A_28 = vector.load %arg6[%swap3A, %swap3A_27] : memref<1000x256xf32, #tpu.memory_space<vmem>>, vector<1000x256xf32>
      tpu.vector_store %arg6[%swap3A, %swap3A_27], %div3A_26 {strides = array<i32>} : memref<1000x256xf32, #tpu.memory_space<vmem>>, vector<1000x256xf32>,
      %mul3A_29 = arith.constant 1000 : i32
      %mul3A_30 = arith.muli %arg1, %mul3A_29 : i32
      %swap3A_31 = arith.index_cast %mul3A_30 : i32 to index
      %swap3A_32 = arith.constant 0 : index
      %swap3A_33 = vector.load %arg11[%swap3A_31, %swap3A_32] : memref<10000x256xf32, #tpu.memory_space<vmem>>, vector<1000x256xf32>
      tpu.vector_store %arg11[%swap3A_31, %swap3A_32], %div3A_26 {strides = array<i32>} : memref<10000x256xf32, #tpu.memory_space<vmem>>, vector<1000x256xf32>,
      %get3A_34 = arith.constant 0 : index
      %get3A_35 = arith.constant 0 : index
      %get3A_36 = vector.load %arg5[%get3A_34, %get3A_35] : memref<1000x1xi32, #tpu.memory_space<vmem>>, vector<1000x1xi32>
      %eq3A_37 = vector.broadcast %get3A_36 : vector<1000x1xi32> to vector<1000x16xi32>
      %eq3A_38 = arith.cmpi eq, %eq3A_37, %iota3A : vector<1000x16xi32>
      %convert_element_type3A_39 = arith.extui %eq3A_38 : vector<1000x16xi1> to vector<1000x16xi32>
      %convert_element_type3A_40 = arith.sitofp %convert_element_type3A_39 : vector<1000x16xi32> to vector<1000x16xf32>
      %dot_general3A_41 = arith.constant dense<0.000000e+00> : vector<16x256xf32>
      %dot_general3A_42 = tpu.matmul %convert_element_type3A_40, %div3A_26, %dot_general3A_41 {dimension_numbers = #tpu.dot_dimension_numbers<[0], [0], [1], [1], [0, 1, 1, 1], [], []>, precision = #tpu.contract_precision<fp32>, transpose_lhs_hint = false} : vector<1000x16xf32>, vector<1000x256xf32>, vector<16x256xf32> -> vector<16x256xf32>
      %broadcast_in_dim3A_43 = arith.constant 1.000000e+00 : f32
      %broadcast_in_dim3A_44 = vector.broadcast %broadcast_in_dim3A_43 : f32 to vector<1000x128xf32>
      %dot_general3A_45 = arith.constant dense<0.000000e+00> : vector<16x128xf32>
      %dot_general3A_46 = tpu.matmul %convert_element_type3A_40, %broadcast_in_dim3A_44, %dot_general3A_45 {dimension_numbers = #tpu.dot_dimension_numbers<[0], [0], [1], [1], [0, 1, 1, 1], [], []>, precision = #tpu.contract_precision<fp32>, transpose_lhs_hint = false} : vector<1000x16xf32>, vector<1000x128xf32>, vector<16x128xf32> -> vector<16x128xf32>
      %eq3A_47 = arith.constant 0 : i32
      %eq3A_48 = arith.cmpi eq, %arg1, %eq3A_47 : i32
      %convert_element_type3A_49 = arith.extui %eq3A_48 : i1 to i32
      %cond3A_50 = arith.constant 0 : i32
      %cond3A_51 = arith.cmpi ne, %convert_element_type3A_49, %cond3A_50 : i32
      scf.if %cond3A_51 {
        %swap3A_61 = arith.constant 0 : index
        %swap3A_62 = arith.constant 0 : index
        %swap3A_63 = vector.load %arg7[%swap3A_61, %swap3A_62] : memref<16x256xf32, #tpu.memory_space<vmem>>, vector<16x256xf32>
        tpu.vector_store %arg7[%swap3A_61, %swap3A_62], %dot_general3A_42 {strides = array<i32>} : memref<16x256xf32, #tpu.memory_space<vmem>>, vector<16x256xf32>,
        %swap3A_64 = arith.constant 0 : index
        %swap3A_65 = arith.constant 0 : index
        %swap3A_66 = vector.load %arg12[%swap3A_64, %swap3A_65] : memref<16x128xf32, #tpu.memory_space<vmem>>, vector<16x128xf32>
        tpu.vector_store %arg12[%swap3A_64, %swap3A_65], %dot_general3A_46 {strides = array<i32>} : memref<16x128xf32, #tpu.memory_space<vmem>>, vector<16x128xf32>,
      } else {
      }
      %gt3A = arith.constant 0 : i32
      %gt3A_52 = arith.cmpi sgt, %arg1, %gt3A : i32
      %convert_element_type3A_53 = arith.extui %gt3A_52 : i1 to i32
      %cond3A_54 = arith.constant 0 : i32
      %cond3A_55 = arith.cmpi ne, %convert_element_type3A_53, %cond3A_54 : i32
      scf.if %cond3A_55 {
        %get3A_61 = arith.constant 0 : index
        %get3A_62 = arith.constant 0 : index
        %get3A_63 = vector.load %arg7[%get3A_61, %get3A_62] : memref<16x256xf32, #tpu.memory_space<vmem>>, vector<16x256xf32>
        %add3A = arith.addf %get3A_63, %dot_general3A_42 : vector<16x256xf32>
        %swap3A_64 = arith.constant 0 : index
        %swap3A_65 = arith.constant 0 : index
        %swap3A_66 = vector.load %arg7[%swap3A_64, %swap3A_65] : memref<16x256xf32, #tpu.memory_space<vmem>>, vector<16x256xf32>
        tpu.vector_store %arg7[%swap3A_64, %swap3A_65], %add3A {strides = array<i32>} : memref<16x256xf32, #tpu.memory_space<vmem>>, vector<16x256xf32>,
        %get3A_67 = arith.constant 0 : index
        %get3A_68 = arith.constant 0 : index
        %get3A_69 = vector.load %arg12[%get3A_67, %get3A_68] : memref<16x128xf32, #tpu.memory_space<vmem>>, vector<16x128xf32>
        %add3A_70 = arith.addf %get3A_69, %dot_general3A_46 : vector<16x128xf32>
        %swap3A_71 = arith.constant 0 : index
        %swap3A_72 = arith.constant 0 : index
        %swap3A_73 = vector.load %arg12[%swap3A_71, %swap3A_72] : memref<16x128xf32, #tpu.memory_space<vmem>>, vector<16x128xf32>
        tpu.vector_store %arg12[%swap3A_71, %swap3A_72], %add3A_70 {strides = array<i32>} : memref<16x128xf32, #tpu.memory_space<vmem>>, vector<16x128xf32>,
      } else {
      }
      %eq3A_56 = arith.constant 9 : i32
      %eq3A_57 = arith.cmpi eq, %arg1, %eq3A_56 : i32
      %convert_element_type3A_58 = arith.extui %eq3A_57 : i1 to i32
      %cond3A_59 = arith.constant 0 : i32
      %cond3A_60 = arith.cmpi ne, %convert_element_type3A_58, %cond3A_59 : i32
      scf.if %cond3A_60 {
        %get3A_61 = arith.constant 0 : index
        %get3A_62 = arith.constant 0 : index
        %get3A_63 = vector.load %arg12[%get3A_61, %get3A_62] : memref<16x128xf32, #tpu.memory_space<vmem>>, vector<16x128xf32>
        %max3A_64 = arith.constant 1.000000e+00 : f32
        %max3A_65 = vector.broadcast %max3A_64 : f32 to vector<16x128xf32>
        %max3A_66 = arith.maximumf %get3A_63, %max3A_65 : vector<16x128xf32>
        %slice3A = vector.extract_strided_slice %max3A_66 {offsets = [0, 0], sizes = [16, 1], strides = [1, 1]} : vector<16x128xf32> to vector<16x1xf32>
        %get3A_67 = arith.constant 0 : index
        %get3A_68 = arith.constant 0 : index
        %get3A_69 = vector.load %arg7[%get3A_67, %get3A_68] : memref<16x256xf32, #tpu.memory_space<vmem>>, vector<16x256xf32>
        %div3A_70 = vector.broadcast %slice3A : vector<16x1xf32> to vector<16x256xf32>
        %div3A_71 = arith.divf %get3A_69, %div3A_70 : vector<16x256xf32>
        %swap3A_72 = arith.constant 0 : index
        %swap3A_73 = arith.constant 0 : index
        %swap3A_74 = vector.load %arg7[%swap3A_72, %swap3A_73] : memref<16x256xf32, #tpu.memory_space<vmem>>, vector<16x256xf32>
        tpu.vector_store %arg7[%swap3A_72, %swap3A_73], %div3A_71 {strides = array<i32>} : memref<16x256xf32, #tpu.memory_space<vmem>>, vector<16x256xf32>,
      } else {
      }
    } else {
    }
    %eq3A_2 = arith.constant 1 : i32
    %eq3A_3 = arith.cmpi eq, %arg0, %eq3A_2 : i32
    %convert_element_type3A_4 = arith.extui %eq3A_3 : i1 to i32
    %cond3A_5 = arith.constant 0 : i32
    %cond3A_6 = arith.cmpi ne, %convert_element_type3A_4, %cond3A_5 : i32
    scf.if %cond3A_6 {
      %mul3A = arith.constant 1000 : i32
      %mul3A_7 = arith.muli %arg1, %mul3A : i32
      %get3A = arith.index_cast %mul3A_7 : i32 to index
      %get3A_8 = arith.constant 0 : index
      %get3A_9 = vector.load %arg11[%get3A, %get3A_8] : memref<10000x256xf32, #tpu.memory_space<vmem>>, vector<1000x256xf32>
      %get3A_10 = arith.constant 0 : index
      %get3A_11 = arith.constant 0 : index
      %get3A_12 = vector.load %arg7[%get3A_10, %get3A_11] : memref<16x256xf32, #tpu.memory_space<vmem>>, vector<16x256xf32>
      %dot_general3A = arith.constant dense<0.000000e+00> : vector<1000x16xf32>
      %dot_general3A_13 = tpu.matmul %get3A_9, %get3A_12, %dot_general3A {dimension_numbers = #tpu.dot_dimension_numbers<[1], [1], [0], [0], [0, 0, 1, 0], [], []>, transpose_lhs_hint = false} : vector<1000x256xf32>, vector<16x256xf32>, vector<1000x16xf32> -> vector<1000x16xf32>
      %swap3A = arith.constant 0 : index
      %swap3A_14 = arith.constant 0 : index
      %swap3A_15 = vector.load %arg8[%swap3A, %swap3A_14] : memref<1000x16xf32, #tpu.memory_space<vmem>>, vector<1000x16xf32>
      tpu.vector_store %arg8[%swap3A, %swap3A_14], %dot_general3A_13 {strides = array<i32>} : memref<1000x16xf32, #tpu.memory_space<vmem>>, vector<1000x16xf32>,
      %mul3A_16 = arith.constant 3.000000e+01 : f32
      %mul3A_17 = vector.broadcast %mul3A_16 : f32 to vector<1000x16xf32>
      %mul3A_18 = arith.mulf %mul3A_17, %dot_general3A_13 : vector<1000x16xf32>
      %reduce_max3A = arith.constant dense<0xFF800000> : vector<1000xf32>
      %reduce_max3A_19 = vector.multi_reduction <maximumf>, %mul3A_18, %reduce_max3A [1] : vector<1000x16xf32> to vector<1000xf32>
      %broadcast_in_dim3A = vector.shape_cast %reduce_max3A_19 : vector<1000xf32> to vector<1000x1xf32>
      %sub3A = vector.broadcast %broadcast_in_dim3A : vector<1000x1xf32> to vector<1000x16xf32>
      %sub3A_20 = arith.subf %mul3A_18, %sub3A : vector<1000x16xf32>
      %exp3A = math.exp %sub3A_20 : vector<1000x16xf32>
      %reduce_sum3A = arith.constant dense<0.000000e+00> : vector<1000xf32>
      %reduce_sum3A_21 = vector.multi_reduction <add>, %exp3A, %reduce_sum3A [1] : vector<1000x16xf32> to vector<1000xf32>
      %broadcast_in_dim3A_22 = vector.shape_cast %reduce_sum3A_21 : vector<1000xf32> to vector<1000x1xf32>
      %div3A = vector.broadcast %broadcast_in_dim3A_22 : vector<1000x1xf32> to vector<1000x16xf32>
      %div3A_23 = arith.divf %exp3A, %div3A : vector<1000x16xf32>
      %swap3A_24 = arith.constant 0 : index
      %swap3A_25 = arith.constant 0 : index
      %swap3A_26 = vector.load %arg9[%swap3A_24, %swap3A_25] : memref<1000x16xf32, #tpu.memory_space<vmem>>, vector<1000x16xf32>
      tpu.vector_store %arg9[%swap3A_24, %swap3A_25], %div3A_23 {strides = array<i32>} : memref<1000x16xf32, #tpu.memory_space<vmem>>, vector<1000x16xf32>,
      %reduce_max3A_27 = arith.constant dense<0xFF800000> : vector<1000xf32>
      %reduce_max3A_28 = vector.multi_reduction <maximumf>, %div3A_23, %reduce_max3A_27 [1] : vector<1000x16xf32> to vector<1000xf32>
      %broadcast_in_dim3A_29 = vector.shape_cast %reduce_max3A_28 : vector<1000xf32> to vector<1000x1xf32>
      %eq3A_30 = vector.broadcast %broadcast_in_dim3A_29 : vector<1000x1xf32> to vector<1000x16xf32>
      %eq3A_31 = arith.cmpf oeq, %div3A_23, %eq3A_30 : vector<1000x16xf32>
      %jit3A = arith.constant 16 : i32
      %broadcast_in_dim3A_32 = vector.broadcast %jit3A : i32 to vector<1000x16xi32>
      %select_n3A = arith.select %eq3A_31, %iota3A, %broadcast_in_dim3A_32 : vector<1000x16xi1>, vector<1000x16xi32>
      %reduce_min3A = arith.constant dense<2147483647> : vector<1000xi32>
      %reduce_min3A_33 = vector.multi_reduction <minsi>, %select_n3A, %reduce_min3A [1] : vector<1000x16xi32> to vector<1000xi32>
      %broadcast_in_dim3A_34 = vector.shape_cast %reduce_min3A_33 : vector<1000xi32> to vector<1000x1xi32>
      %eq3A_35 = vector.broadcast %broadcast_in_dim3A_34 : vector<1000x1xi32> to vector<1000x16xi32>
      %eq3A_36 = arith.cmpi eq, %iota3A, %eq3A_35 : vector<1000x16xi32>
      %convert_element_type3A_37 = arith.extui %eq3A_36 : vector<1000x16xi1> to vector<1000x16xi32>
      %convert_element_type3A_38 = arith.sitofp %convert_element_type3A_37 : vector<1000x16xi32> to vector<1000x16xf32>
      %dot_general3A_39 = arith.constant dense<0.000000e+00> : vector<16x256xf32>
      %dot_general3A_40 = tpu.matmul %convert_element_type3A_38, %get3A_9, %dot_general3A_39 {dimension_numbers = #tpu.dot_dimension_numbers<[0], [0], [1], [1], [0, 1, 1, 1], [], []>, precision = #tpu.contract_precision<fp32>, transpose_lhs_hint = false} : vector<1000x16xf32>, vector<1000x256xf32>, vector<16x256xf32> -> vector<16x256xf32>
      %broadcast_in_dim3A_41 = arith.constant 1.000000e+00 : f32
      %broadcast_in_dim3A_42 = vector.broadcast %broadcast_in_dim3A_41 : f32 to vector<1000x16xf32>
      %dot_general3A_43 = arith.constant dense<0.000000e+00> : vector<16x16xf32>
      %dot_general3A_44 = tpu.matmul %convert_element_type3A_38, %broadcast_in_dim3A_42, %dot_general3A_43 {dimension_numbers = #tpu.dot_dimension_numbers<[0], [0], [1], [1], [0, 1, 1, 1], [], []>, precision = #tpu.contract_precision<fp32>, transpose_lhs_hint = false} : vector<1000x16xf32>, vector<1000x16xf32>, vector<16x16xf32> -> vector<16x16xf32>
      %eq3A_45 = arith.constant 0 : i32
      %eq3A_46 = arith.cmpi eq, %arg1, %eq3A_45 : i32
      %convert_element_type3A_47 = arith.extui %eq3A_46 : i1 to i32
      %cond3A_48 = arith.constant 0 : i32
      %cond3A_49 = arith.cmpi ne, %convert_element_type3A_47, %cond3A_48 : i32
      scf.if %cond3A_49 {
        %swap3A_59 = arith.constant 0 : index
        %swap3A_60 = arith.constant 0 : index
        %swap3A_61 = vector.load %arg10[%swap3A_59, %swap3A_60] : memref<16x256xf32, #tpu.memory_space<vmem>>, vector<16x256xf32>
        tpu.vector_store %arg10[%swap3A_59, %swap3A_60], %dot_general3A_40 {strides = array<i32>} : memref<16x256xf32, #tpu.memory_space<vmem>>, vector<16x256xf32>,
        %swap3A_62 = arith.constant 0 : index
        %swap3A_63 = arith.constant 0 : index
        %swap3A_64 = vector.load %arg13[%swap3A_62, %swap3A_63] : memref<16x16xf32, #tpu.memory_space<vmem>>, vector<16x16xf32>
        tpu.vector_store %arg13[%swap3A_62, %swap3A_63], %dot_general3A_44 {strides = array<i32>} : memref<16x16xf32, #tpu.memory_space<vmem>>, vector<16x16xf32>,
      } else {
      }
      %gt3A = arith.constant 0 : i32
      %gt3A_50 = arith.cmpi sgt, %arg1, %gt3A : i32
      %convert_element_type3A_51 = arith.extui %gt3A_50 : i1 to i32
      %cond3A_52 = arith.constant 0 : i32
      %cond3A_53 = arith.cmpi ne, %convert_element_type3A_51, %cond3A_52 : i32
      scf.if %cond3A_53 {
        %get3A_59 = arith.constant 0 : index
        %get3A_60 = arith.constant 0 : index
        %get3A_61 = vector.load %arg10[%get3A_59, %get3A_60] : memref<16x256xf32, #tpu.memory_space<vmem>>, vector<16x256xf32>
        %add3A = arith.addf %get3A_61, %dot_general3A_40 : vector<16x256xf32>
        %swap3A_62 = arith.constant 0 : index
        %swap3A_63 = arith.constant 0 : index
        %swap3A_64 = vector.load %arg10[%swap3A_62, %swap3A_63] : memref<16x256xf32, #tpu.memory_space<vmem>>, vector<16x256xf32>
        tpu.vector_store %arg10[%swap3A_62, %swap3A_63], %add3A {strides = array<i32>} : memref<16x256xf32, #tpu.memory_space<vmem>>, vector<16x256xf32>,
        %get3A_65 = arith.constant 0 : index
        %get3A_66 = arith.constant 0 : index
        %get3A_67 = vector.load %arg13[%get3A_65, %get3A_66] : memref<16x16xf32, #tpu.memory_space<vmem>>, vector<16x16xf32>
        %add3A_68 = arith.addf %get3A_67, %dot_general3A_44 : vector<16x16xf32>
        %swap3A_69 = arith.constant 0 : index
        %swap3A_70 = arith.constant 0 : index
        %swap3A_71 = vector.load %arg13[%swap3A_69, %swap3A_70] : memref<16x16xf32, #tpu.memory_space<vmem>>, vector<16x16xf32>
        tpu.vector_store %arg13[%swap3A_69, %swap3A_70], %add3A_68 {strides = array<i32>} : memref<16x16xf32, #tpu.memory_space<vmem>>, vector<16x16xf32>,
      } else {
      }
      %eq3A_54 = arith.constant 9 : i32
      %eq3A_55 = arith.cmpi eq, %arg1, %eq3A_54 : i32
      %convert_element_type3A_56 = arith.extui %eq3A_55 : i1 to i32
      %cond3A_57 = arith.constant 0 : i32
      %cond3A_58 = arith.cmpi ne, %convert_element_type3A_56, %cond3A_57 : i32
      scf.if %cond3A_58 {
        %get3A_59 = arith.constant 0 : index
        %get3A_60 = arith.constant 0 : index
        %get3A_61 = vector.load %arg13[%get3A_59, %get3A_60] : memref<16x16xf32, #tpu.memory_space<vmem>>, vector<16x16xf32>
        %max3A = arith.constant 1.000000e+00 : f32
        %max3A_62 = vector.broadcast %max3A : f32 to vector<16x16xf32>
        %max3A_63 = arith.maximumf %get3A_61, %max3A_62 : vector<16x16xf32>
        %slice3A = vector.extract_strided_slice %max3A_63 {offsets = [0, 0], sizes = [16, 1], strides = [1, 1]} : vector<16x16xf32> to vector<16x1xf32>
        %get3A_64 = arith.constant 0 : index
        %get3A_65 = arith.constant 0 : index
        %get3A_66 = vector.load %arg10[%get3A_64, %get3A_65] : memref<16x256xf32, #tpu.memory_space<vmem>>, vector<16x256xf32>
        %div3A_67 = vector.broadcast %slice3A : vector<16x1xf32> to vector<16x256xf32>
        %div3A_68 = arith.divf %get3A_66, %div3A_67 : vector<16x256xf32>
        %swap3A_69 = arith.constant 0 : index
        %swap3A_70 = arith.constant 0 : index
        %swap3A_71 = vector.load %arg10[%swap3A_69, %swap3A_70] : memref<16x256xf32, #tpu.memory_space<vmem>>, vector<16x256xf32>
        tpu.vector_store %arg10[%swap3A_69, %swap3A_70], %div3A_68 {strides = array<i32>} : memref<16x256xf32, #tpu.memory_space<vmem>>, vector<16x256xf32>,
      } else {
      }
    } else {
    }
    return
  }
  func.func @transform_0(%arg0: i32, %arg1: i32) -> (i32, i32, i32) {
    %eq3A = arith.constant 0 : i32
    %eq3A_0 = arith.cmpi eq, %arg0, %eq3A : i32
    %jit3A = arith.constant 9 : i32
    %select_n3A = arith.select %eq3A_0, %arg1, %jit3A : i32
    %c0_i32 = arith.constant 0 : i32
    %c0_i32_1 = arith.constant 0 : i32
    %c0_i32_2 = arith.constant 0 : i32
    return %c0_i32, %select_n3A, %c0_i32_1 : i32, i32, i32
  }
  func.func @transform_1(%arg0: i32, %arg1: i32) -> (i32, i32, i32) {
    %eq3A = arith.constant 0 : i32
    %eq3A_0 = arith.cmpi eq, %arg0, %eq3A : i32
    %jit3A = arith.constant 9 : i32
    %select_n3A = arith.select %eq3A_0, %arg1, %jit3A : i32
    %c1_i32 = arith.constant 1 : i32
    %c0_i32 = arith.constant 0 : i32
    %c0_i32_1 = arith.constant 0 : i32
    return %c1_i32, %select_n3A, %c0_i32 : i32, i32, i32
  }
  func.func @transform_2(%arg0: i32, %arg1: i32) -> (i32, i32) {
    %c0_i32 = arith.constant 0 : i32
    %c0_i32_0 = arith.constant 0 : i32
    %c0_i32_1 = arith.constant 0 : i32
    return %c0_i32, %c0_i32_0 : i32, i32
  }
  func.func @transform_3(%arg0: i32, %arg1: i32) -> (i32, i32) {
    %eq3A = arith.constant 0 : i32
    %eq3A_0 = arith.cmpi eq, %arg0, %eq3A : i32
    %jit3A = arith.constant 9 : i32
    %select_n3A = arith.select %eq3A_0, %arg1, %jit3A : i32
    %c0_i32 = arith.constant 0 : i32
    %c0_i32_1 = arith.constant 0 : i32
    return %select_n3A, %c0_i32 : i32, i32
  }
  func.func @transform_4(%arg0: i32, %arg1: i32) -> (i32, i32) {
    %eq3A = arith.constant 0 : i32
    %eq3A_0 = arith.cmpi eq, %arg0, %eq3A : i32
    %jit3A = arith.constant 9 : i32
    %select_n3A = arith.select %eq3A_0, %arg1, %jit3A : i32
    %c0_i32 = arith.constant 0 : i32
    %c0_i32_1 = arith.constant 0 : i32
    return %select_n3A, %c0_i32 : i32, i32
  }
  func.func @transform_5(%arg0: i32, %arg1: i32) -> (i32, i32) {
    %c0_i32 = arith.constant 0 : i32
    %c0_i32_0 = arith.constant 0 : i32
    %c0_i32_1 = arith.constant 0 : i32
    return %c0_i32, %c0_i32_0 : i32, i32
  }
  func.func @transform_6(%arg0: i32, %arg1: i32) -> (i32, i32) {
    %eq3A = arith.constant 0 : i32
    %eq3A_0 = arith.cmpi eq, %arg0, %eq3A : i32
    %jit3A = arith.constant 0 : i32
    %select_n3A = arith.select %eq3A_0, %jit3A, %arg1 : i32
    %c0_i32 = arith.constant 0 : i32
    %c0_i32_1 = arith.constant 0 : i32
    return %select_n3A, %c0_i32 : i32, i32
  }
  func.func @transform_7(%arg0: i32, %arg1: i32) -> (i32, i32) {
    %eq3A = arith.constant 0 : i32
    %eq3A_0 = arith.cmpi eq, %arg0, %eq3A : i32
    %jit3A = arith.constant 0 : i32
    %select_n3A = arith.select %eq3A_0, %jit3A, %arg1 : i32
    %c0_i32 = arith.constant 0 : i32
    %c0_i32_1 = arith.constant 0 : i32
    return %select_n3A, %c0_i32 : i32, i32
  }
  func.func @transform_8(%arg0: i32, %arg1: i32) -> (i32, i32) {
    %c0_i32 = arith.constant 0 : i32
    %c0_i32_0 = arith.constant 0 : i32
    %c0_i32_1 = arith.constant 0 : i32
    return %c0_i32, %c0_i32_0 : i32, i32
  }
}

</mosaic_0001>

<sc_bundles>
// kernel: kernel.4.cloned.1.call-start
scs
__scs_entry_jumppad:
0x0: {  	(pc) =	sbr.rel $0x88, $3  }
0x1: {  	(tag) =	ssettag $0x0;
	lr =	simm.s32 $0x1  }
0x2: {  	[smem:$0x3F9D] =	sst lr;
	_ =	strace $0xD0000000  }
0x3: {  	_ = 	snop  }
0x4: {  	_ = 	snop  }
0x5: {  	_ = 	snop  }
0x6: {  	_ = 	snop  }
0x7: {  	_ = 	snop  }
__scs_overlays_trampoline_lowered:
0x8: {  	[smem:$0x3FAC] =	sst s0  }
0x9: {  	[smem:$0x3FAD] =	sst s1  }
0xa: {  	[smem:$0x3FAE] =	sst s2  }
0xb: {  	[smem:$0x3FAF] =	sst s3  }
0xc: {  	[smem:$0x3FB0] =	sst s4  }
0xd: {  	[smem:$0x3FB1] =	sst s5  }
0xe: {  	[smem:$0x3FB2] =	sst s6  }
0xf: {  	[smem:$0x3FB3] =	sst s7  }
0x10: {  	[smem:$0x3FB4] =	sst s8  }
0x11: {  	[smem:$0x3FB5] =	sst s9;
	s0 =	simm.s32 @!p0 $0x0  }
0x12: {  	s1 =	sld [smem:$0x3F9B];
	s0 =	simm.s32 @p0 $0x1  }
0x13: {  	[smem:$0x3FB6] =	sst s0;
	s0 =	simm.s32 @!p1 $0x0  }
0x14: {  	s2 =	sld [smem:$0x3F9A];
	s0 =	simm.s32 @p1 $0x1  }
0x15: {  	[smem:$0x3FB7] =	sst s0;
	s0 =	simm.s32 @!p2 $0x0  }
0x16: {  	s3 =	sld [smem:$0x3FDB];
	s0 =	simm.s32 @p2 $0x1  }
0x17: {  	s4 =	simm.s32 $0x1BF5;
	[smem:$0x3FB9] =	sst s0  }
0x18: {  	s0 =	sld [smem:$0x3F9C];
	_ =	swait.ge [sflag:s4], $0x0  }
0x19: {  	s7 =	sld [smem:$0x3F9D]  }
0x1a: {  	s8 =	sadd.s32 $0xFFFFE003, lr  }
0x1b: {  	s9 =	sadd.s32 $0xFFFFFEF7, lr;
	s5 =	simm.s32 $0xFFFFFFFF;
	p2 =	slt.u32 s8, $0xFFFFF086  }
0x1c: {  	p1 =	slt.u32 s9, $0xF7A;
	s5 =	simm.s32 @!p2 $0x0  }
0x1d: {  	s5 =	simm.s32 @p1 $0x1;
	p0 =	seq.s32 s7, s2  }
0x1e: {  	s7 =	smul.u32 @!p0 $0xF7A, s2;
	p2 =	seq.s32 @!p0 s5, $0x0  }
0x1f: {  	s9 =	smul.u32 $0xF7A, s1;
	s8 =	simm.s32 @!p0 $0x1BF5;
	p2 =	por !p2, p0  }
0x20: {  	[sflag:s8] =	ssyncset.s32 @!p0 $0xFFFFF086;
	s6 =	sadd.s32 @!p0 s3, s7;
	s7 =	simm.s32 @!p0 $0x108  }
0x21: {  	s3 =	sadd.s32 s3, s9;
	s6 =	sadd.s32 @!p0 $0x88, s6;
	s7 =	simm.s32 @p2 $0x1082  }
0x22: {  	[simem:s7], [sflag:s8] =	dma.local @!p0 [hbm:s6], $0xF7A  }
0x23: {  	s9 =	sor.u32 $0xD0000000, s2;
	s6 =	simm.s32 $0x108;
	_ =	swait.ge @!p0 [sflag:s8], $0x0  }
0x24: {  	s3 =	sadd.s32 $0x88, s3;
	s6 =	simm.s32 @!p1 $0x1082;
	[sflag:s4] =	ssyncset.s32 $0xFFFFF086  }
0x25: {  	[simem:s6], [sflag:s4] =	dma.local [hbm:s3], $0xF7A  }
0x26: {  	[smem:$0x3F9D] =	sst s1;
	(tag) =	ssettag s2;
	_ =	strace s9  }
0x27: {  	s1 =	sld [smem:$0x3FAD]  }
0x28: {  	s2 =	sld [smem:$0x3FAE]  }
0x29: {  	s4 =	sld [smem:$0x3FB0]  }
0x2a: {  	p0 =	seq.s32 s5, $0x0;
	s5 =	sld [smem:$0x3FB1]  }
0x2b: {  	s6 =	sld [smem:$0x3FB2]  }
0x2c: {  	s7 =	sld [smem:$0x3FB3]  }
0x2d: {  	s3 =	simm.s32 $0x108;
	s8 =	sld [smem:$0x3FB4]  }
0x2e: {  	s3 =	simm.s32 @!p0 $0x1082;
	s9 =	sld [smem:$0x3FB5]  }
0x2f: {  	lr =	sadd.s32 s0, s3;
	s0 =	sld [smem:$0x3FAC]  }
0x30: {  	s3 =	sld [smem:$0x3FAF]  }
0x31: {  	[smem:$0x3FB8] =	sst s10  }
0x32: {  	s10 =	sld [smem:$0x3FB6];
	_ =	sdelay $0x3  }
0x33: {  	p0 =	seq.s32 s10, $0x1;
	s10 =	sld [smem:$0x3FB8];
	_ =	sdelay $0x3  }
0x34: {  	[smem:$0x3FB8] =	sst s10  }
0x35: {  	s10 =	sld [smem:$0x3FB7];
	_ =	sdelay $0x3  }
0x36: {  	p1 =	seq.s32 s10, $0x1;
	s10 =	sld [smem:$0x3FB8];
	_ =	sdelay $0x3  }
0x37: {  	[smem:$0x3FB8] =	sst s10  }
0x38: {  	s10 =	sld [smem:$0x3FB9]  }
0x39: {  	_ = 	snop;
	(pc) =	sbr.ind lr, $3  }
0x3a: {  	_ = 	snop  }
0x3b: {  	_ = 	snop  }
0x3c: {  	p2 =	seq.s32 s10, $0x1;
	s10 =	sld [smem:$0x3FB8]  }
0x3d: {  	_ =	shalt  }
0x3e: {  	_ =	shalt  }
0x3f: {  	_ =	shalt  }
0x40: {  	_ =	shalt  }
0x41: {  	_ =	shalt  }
0x42: {  	_ =	shalt  }
0x43: {  	_ =	shalt  }
0x44: {  	_ =	shalt  }
0x45: {  	_ =	shalt  }
0x46: {  	_ =	shalt  }
0x47: {  	_ =	shalt  }
0x48: {  	_ =	shalt  }
0x49: {  	_ =	shalt  }
0x4a: {  	_ =	shalt  }
0x4b: {  	_ =	shalt  }
0x4c: {  	_ =	shalt  }
0x4d: {  	_ =	shalt  }
0x4e: {  	_ =	shalt  }
0x4f: {  	_ =	shalt  }
0x50: {  	_ =	shalt  }
0x51: {  	_ =	shalt  }
0x52: {  	_ =	shalt  }
0x53: {  	_ =	shalt  }
0x54: {  	_ =	shalt  }
0x55: {  	_ =	shalt  }
0x56: {  	_ =	shalt  }
0x57: {  	_ =	shalt  }
0x58: {  	_ =	shalt  }
0x59: {  	_ =	shalt  }
0x5a: {  	_ =	shalt  }
0x5b: {  	_ =	shalt  }
0x5c: {  	_ =	shalt  }
0x5d: {  	_ =	shalt  }
0x5e: {  	_ =	shalt  }
0x5f: {  	_ =	shalt  }
0x60: {  	_ =	shalt  }
0x61: {  	_ =	shalt  }
0x62: {  	_ =	shalt  }
0x63: {  	_ =	shalt  }
0x64: {  	_ =	shalt  }
0x65: {  	_ =	shalt  }
0x66: {  	_ =	shalt  }
0x67: {  	_ =	shalt  }
0x68: {  	_ =	shalt  }
0x69: {  	_ =	shalt  }
0x6a: {  	_ =	shalt  }
0x6b: {  	_ =	shalt  }
0x6c: {  	_ =	shalt  }
0x6d: {  	_ =	shalt  }
0x6e: {  	_ =	shalt  }
0x6f: {  	_ =	shalt  }
0x70: {  	_ =	shalt  }
0x71: {  	_ =	shalt  }
0x72: {  	_ =	shalt  }
0x73: {  	_ =	shalt  }
0x74: {  	_ =	shalt  }
0x75: {  	_ =	shalt  }
0x76: {  	_ =	shalt  }
0x77: {  	_ =	shalt  }
0x78: {  	_ =	shalt  }
0x79: {  	_ =	shalt  }
0x7a: {  	_ =	shalt  }
0x7b: {  	_ =	shalt  }
0x7c: {  	_ =	shalt  }
0x7d: {  	_ =	shalt  }
0x7e: {  	_ =	shalt  }
0x7f: {  	_ =	shalt  }
0x80: {  	_ =	shalt  }
0x81: {  	_ =	shalt  }
0x82: {  	_ =	shalt  }
0x83: {  	_ =	shalt  }
0x84: {  	_ =	shalt  }
0x85: {  	_ =	shalt  }
0x86: {  	_ =	shalt  }
0x87: {  	_ =	shalt  }
.Lfunc_end0:
.L_simem_size_0:
called_computation_lowered:
.L_overlay_start_0:
0x88: {  	s2 =	sld [smem:$0x3FD9]  }
0x89: {  	s3 =	sld [smem:$0x3FFE];
	_ =	sdelay $0x1  }
0x8a: {  	s1 =	srdreg.scid  }
0x8b: {  	s0 =	sand.u32 $0x1, s1  }
0x8c: {  	s14 =	sshll.u32 s0, $0xA;
	s2 =	sadd.s32 s3, s2  }
0x8d: {  	s2 =	sadd.s32 s2, s14  }
0x8e: {  	[smem:$0x3FC4] =	sst s2  }
0x8f: {  	_ = 	snop  }
0x90: {  	s2 =	sld [smem:$0x3FD0];
	_ =	sdelay $0x2  }
0x91: {  	s15 =	simm.s32 $0xA;
	s4 =	simm.s32 $0x10  }
0x92: {  	[smem:s4], [sflag:s15] =	dma.local [hbm:s2], $0x1  }
0x93: {  	_ =	swait.eq [sflag:s15], $0x1  }
0x94: {  	[sflag:s15] =	ssyncset.done $0x0  }
0x95: {  	[sflag:s15] =	ssyncadd.s32 $0xFFFFFFFF  }
0x96: {  	s16 =	sld [smem:$0x10];
	(tm) =	ssettm $0x1  }
0x97: {  	s17 =	sld [smem:$0x3FFB];
	_ =	sdelay $0x3  }
0x98: {  	_ =	strace s17  }
0x99: {  	s3 =	sld [smem:$0x3FFC];
	_ =	sdelay $0x3  }
0x9a: {  	_ =	strace s3  }
0x9b: {  	s3 =	sld [smem:$0x3FFD];
	_ =	sdelay $0x3  }
0x9c: {  	_ =	strace s3  }
0x9d: {  	_ =	strace $0x8FFFFFFF  }
0x9e: {  	s18 =	sld [smem:$0x3FDB];
	_ =	sdelay $0x1  }
0x9f: {  	s19 =	simm.s32 $_scs_section_size  }
0xa0: {  	s5 =	simm.s32 $_size__tile_overlayer_lowered;
	s6 =	simm.s32 $_tile_overlayer_lowered  }
0xa1: {  	s22 =	simm.s32 $0x1BFF;
	s21 =	sshll.u32 s6, $0x1;
	s3 =	sadd.s32 s19, s18  }
0xa2: {  	s7 =	simm.s32 $0x0;
	s20 =	sshll.u32 s5, $0x1;
	s5 =	sadd.s32 s21, s3  }
0xa3: {  	[timem:s7], [sflag:s22] =	dma.local [hbm:s5], s20  }
0xa4: {  	_ =	swait.ge [sflag:s22], s20  }
0xa5: {  	s4 =	ssub.s32 $0x0, s20;
	[sflag:s22] =	ssyncset.done $0x0  }
0xa6: {  	[sflag:s22] =	ssyncadd.s32 s4;
	_ =	sdelay $0x1  }
0xa7: {  	s23 =	simm.s32 $0x1B8B  }
0xa8: {  	_ =	swait.ge [sflag:s23], $0x1  }
0xa9: {  	[sflag:s23] =	ssyncset.done $0x0  }
0xaa: {  	s25 =	simm.s32 $0x1B8E;
	s24 =	sld [smem:$0x3FFE];
	[sflag:s23] =	ssyncadd.s32 $0xFFFFFFFF  }
0xab: {  	s26 =	simm.s32 $execute0_lowered;
	[smem:$0x3FD2] =	sst s25  }
0xac: {  	s5 =	sshll.u32 s26, $0x1;
	_ =	strace $0x80000046;
	[dreg:$0x1] =	wrdreg $0xFFFFFFFF  }
0xad: {  	s28 =	simm.s32 $_size_execute0_lowered;
	s3 =	sadd.s32 s3, s5;
	[dreg:$0x0] =	wrdreg $0x0  }
0xae: {  	s5 =	sshll.u32 s28, $0x1;
	[dreg:$0x2] =	wrdreg s3  }
0xaf: {  	[dreg:$0x3] =	wrdreg s5  }
0xb0: {  	[dreg:$0x4] =	wrdreg $0xC0  }
0xb1: {  	_ =	task [dreg:s7], $0x5FFFF  }
0xb2: {  	[dreg:$0x1] =	wrdreg $0xFFFFFFFF  }
0xb3: {  	[dreg:$0x0] =	wrdreg $0x60  }
0xb4: {  	[dreg:$0x2] =	wrdreg s24  }
0xb5: {  	[dreg:$0x3] =	wrdreg s16  }
0xb6: {  	[dreg:$0x4] =	wrdreg $0xAA000  }
0xb7: {  	[dreg:$0x5] =	wrdreg $0x9  }
0xb8: {  	_ =	task.clear_ibuf [dreg:s7], $0x6FFFF;
	_ =	strace $0x90000046  }
0xb9: {  	s29 =	simm.s32 $0x9;
	_ =	strace $0x80000048  }
0xba: {  	_ =	swait.ge [sflag:s29], $0x1  }
0xbb: {  	[sflag:s29] =	ssyncadd.s32 $0xFFFFFFFF  }
0xbc: {  	_ =	strace $0x90000048  }
0xbd: {  	_ =	sfence  }
0xbe: {  	s30 =	sld [smem:$0x0];
	_ =	sdelay $0x2  }
0xbf: {  	s31 =	sshll.u32 s1, $0xD;
	s1 =	sshrl.u32 s1, $0x2  }
0xc0: {  	s3 =	sand.u32 $0x4000, s31;
	s1 =	sadd.s32 s1, s30  }
0xc1: {  	s0 =	sor.u32 s3, s0;
	s1 =	sshll.u32 s1, $0x11  }
0xc2: {  	s0 =	sor.u32 s1, s0  }
0xc3: {  	s0 =	sadd.s32 $0x8F2B, s0  }
0xc4: {  	[sflag:s0] =	ssyncadd.remote.s32 $0x1  }
0xc5: {  	_ =	sfence.sel $0xFFFF  }
0xc6: {  	[dreg:$0x0] =	wrdreg $0xFFFFFFFF;
	(pc) =	sbr.abs _section_cstart, $3  }
0xc7: {  	[dreg:$0x1] =	wrdreg $0xFFFFFFFF  }
0xc8: {  	_ =	task.clear_ibuf [dreg:s7], $0x2FFFF;
	_ =	strace $0x9FFFFFFF  }
0xc9: {  	(tm) =	ssettm $0x7FFFFFFF  }
tec
execute0_lowered:
.L_overlay_start_1:
0x0: {  	(tag) =	ssettag $0x1  }
0x1: {  	s0 =	rddreg [dreg:$0x0]  }
0x2: {  	s2 =	rddreg [dreg:$0x1]  }
0x3: {  	s21 =	stileid.u32;
	s3 =	rddreg [dreg:$0x2];
	s4 =	simm.s32 $0x0  }
0x4: {  	s6 =	srdreg.scid;
	s28 =	simm.s32 $0x1;
	s29 =	simm.s32 $0x2  }
0x5: {  	s30 =	simm.s32 $0x2880;
	s31 =	simm.s32 $0x4;
	s1 =	sshrl.u32 s21, $0x3  }
0x6: {  	s5 =	sshll.u32 s21, $0x7;
	[smem:$0x7FF] =	sst s4;
	s9 =	smul.u32 $0x4E000, s21  }
0x7: {  	s6 =	sand.u32 $0x1, s6;
	s8 =	sadd.s32 $0x600, s0;
	s12 =	smul.u32 $0x2700, s21  }
0x8: {  	s11 =	sadd.s32 $0x31800, s0;
	s16 =	smul.u32 $0x13800, s21;
	s19 =	sadd.s32 $0x124800, s3  }
0x9: {  	s23 =	smul.u32 $0x500, s21;
	s24 =	sadd.s32 $0x24900, s2;
	p1 =	seq.s32 s21, $0xF  }
0xa: {  	s1 =	smul.u32 $0x14000, s1;
	s5 =	sand.u32 $0x380, s5;
	_ =	strace $0x80000047  }
0xb: {  	s7 =	ssub.s32 $0x2, s6;
	p0 =	seq.s32 s6, $0x1;
	s6 =	smul.u32 $0x138800, s6  }
0xc: {  	[dreg:$0x9] =	wrdreg s24;
	s24 =	simm.s32 $0x2900;
	s10 =	sshrl.u32 s7, $0x1  }
0xd: {  	s13 =	sshrl.u32 s9, $0x2;
	s18 =	sadd.s32 s2, s12;
	s26 =	sadd.s32 s23, s8  }
0xe: {  	s23 =	simm.s32 $0x2A00;
	s1 =	sor.u32 s5, s1;
	s5 =	sadd.s32 $0xA600, s0  }
0xf: {  	s15 =	ssub.s32 s7, s10;
	s10 =	smul.u32 $0x2800, s21;
	s7 =	sadd.s32 s13, s3  }
0x10: {  	[dreg:$0x8] =	wrdreg s18;
	s20 =	sadd.s32 s16, s6;
	s22 =	sshrl.u32 s6, $0x3  }
0x11: {  	s18 =	simm.s32 $0x80;
	s21 =	sshrl.u32 @p1 s19, $0x3;
	s1 =	sshrl.u32 s1, $0x3  }
0x12: {  	[dreg:$0x5] =	wrdreg s7;
	s14 =	sadd.s32 s5, s12;
	s25 =	sadd.s32 s11, s22  }
0x13: {  	s15 =	smax.u32 s15, $0x1;
	s22 =	simm.s32 $0x2800;
	s1 =	sadd.s32 s1, s0  }
0x14: {  	[dreg:$0x6] =	wrdreg s14;
	s0 =	sadd.s32 $0x2EF00, s0;
	s17 =	sshrl.u32 s10, $0x3  }
.Ltmp0:
0x15: {  	s14 =	sadd.s32 $0x24900, s25;
	s25 =	simm.s32 $0x3;
	(pc) =	sbr.rel .LBB2_1-.Ltmp0, $4  }
0x16: {  	s1 =	sadd.s32 $0x5600, s1;
	[dreg:$0x7] =	wrdreg s0;
	s10 =	sadd.s32 s8, s17  }
0x17: {  	s0 =	sshrl.u32 s20, $0x3;
	s17 =	sadd.s32 $0x40, s26;
	s20 =	simm.s32 $0x5  }
0x18: {  	s26 =	simm.s32 $0x6A00;
	[dreg:$0x4] =	wrdreg s1;
	s13 =	sadd.s32 s11, s0  }
0x19: {  	s16 =	sadd.s32 $0x4E0, s10;
	s1 =	simm.s32 $0x2980;
	s11 =	simm.s32 $0x0  }
.LBB2_7:
0x1a: {  	s0 =	sadd.s32 $0xFFFFFFE0, s9;
	[sflag:s20] =	ssyncadd.s32 $0xFFFFC000  }
0x1b: {  	[tilespmem:s24], [sflag:$0x4] =	stream.linear.gather [hbm4b:s0+s4], $0x100, $0x38;
	[tilespmem:$0x1E480] =	vst v63  }
0x1c: {  	_ =	swait.ge [sflag:s25], $0x100  }
0x1d: {  	s0 =	sshra.s32 s19, $0x2;
	[sflag:s25] =	ssyncset.done $0x0  }
0x1e: {  	s6 =	sadd.s32 $0x80, s0;
	[sflag:s25] =	ssyncadd.s32 $0xFFFFFF00  }
0x1f: {  	[tilespmem:s26], [sflag:$0x2] =	stream.indirect.gather [hbm4b:s2+s18], $0x80, s6, s18, $0xb8;
	[tilespmem:$0x1E480] =	vst v63  }
0x20: {  	_ =	swait.ge [sflag:s28], $0x4000  }
0x21: {  	[sflag:s28] =	ssyncset.done $0x0  }
0x22: {  	[sflag:s28] =	ssyncadd.s32 $0xFFFFC000  }
0x23: {  	[spmem:s3] =	stream.indirect.scatter.add.f32 [tilespmem:s23], [sflag:$0x5], $0x80, s22, s18, $0xb8;
	[tilespmem:$0x1E480] =	vst v63  }
0x24: {  	_ =	swait.ge [sflag:s20], $0x4000  }
0x25: {  	[sflag:s20] =	ssyncset.done $0x0  }
0x26: {  	s7 =	sadd.s32 $0x100, s0;
	[sflag:s20] =	ssyncadd.s32 $0xFFFFC000  }
0x27: {  	[tilespmem:s23], [sflag:$0x1] =	stream.indirect.gather [hbm4b:s2+s18], $0x80, s7, s18, $0xb8;
	[tilespmem:$0x1E480] =	vst v63  }
0x28: {  	_ =	swait.ge [sflag:s29], $0x4000  }
0x29: {  	[sflag:s29] =	ssyncset.done $0x0  }
0x2a: {  	[sflag:s29] =	ssyncadd.s32 $0xFFFFC000  }
0x2b: {  	[spmem:s3] =	stream.indirect.scatter.add.f32 [tilespmem:s26], [sflag:$0x5], $0x80, s30, s18, $0xb8;
	[tilespmem:$0x1E480] =	vst v63  }
0x2c: {  	_ =	swait.ge [sflag:s20], $0x4000  }
0x2d: {  	[sflag:s20] =	ssyncset.done $0x0  }
0x2e: {  	[sflag:s20] =	ssyncadd.s32 $0xFFFFC000  }
0x2f: {  	[tilespmem:s22], [sflag:$0x3] =	stream.linear.gather [hbm4b:s9+s4], $0x100, $0x38;
	[tilespmem:$0x1E480] =	vst v63  }
0x30: {  	_ =	swait.ge [sflag:s31], $0x100  }
0x31: {  	[sflag:s31] =	ssyncset.done $0x0  }
0x32: {  	s19 =	sadd.s32 $0x180, s0;
	[sflag:s31] =	ssyncadd.s32 $0xFFFFFF00  }
0x33: {  	[tilespmem:s26], [sflag:$0x2] =	stream.indirect.gather [hbm4b:s2+s18], $0x80, s19, s18, $0xb8;
	[tilespmem:$0x1E480] =	vst v63  }
0x34: {  	_ =	swait.ge [sflag:s28], $0x4000  }
0x35: {  	[sflag:s28] =	ssyncset.done $0x0  }
0x36: {  	[sflag:s28] =	ssyncadd.s32 $0xFFFFC000  }
0x37: {  	[spmem:s3] =	stream.indirect.scatter.add.f32 [tilespmem:s23], [sflag:$0x5], $0x80, s24, s18, $0xb8;
	[tilespmem:$0x1E480] =	vst v63  }
0x38: {  	_ =	swait.ge [sflag:s20], $0x4000  }
0x39: {  	[sflag:s20] =	ssyncset.done $0x0  }
0x3a: {  	s0 =	sadd.s32 $0x200, s0;
	[sflag:s20] =	ssyncadd.s32 $0xFFFFC000  }
0x3b: {  	[tilespmem:s23], [sflag:$0x1] =	stream.indirect.gather [hbm4b:s2+s18], $0x80, s0, s18, $0xb8;
	[tilespmem:$0x1E480] =	vst v63  }
0x3c: {  	_ =	swait.ge [sflag:s29], $0x4000  }
0x3d: {  	[sflag:s29] =	ssyncset.done $0x0  }
0x3e: {  	[sflag:s29] =	ssyncadd.s32 $0xFFFFC000  }
0x3f: {  	[spmem:s3] =	stream.indirect.scatter.add.f32 [tilespmem:s26], [sflag:$0x5], $0x80, s1, s18, $0xb8;
	[tilespmem:$0x1E480] =	vst v63  }
0x40: {  	_ =	swait.ge [sflag:s20], $0x4000  }
0x41: {  	[sflag:s20] =	ssyncset.done $0x0  }
0x42: {  	[sflag:s20] =	ssyncadd.s32 $0xFFFFC000  }
0x43: {  	[tilespmem:s24], [sflag:$0x4] =	stream.linear.gather [hbm4b:s16+s4], $0x100, $0x38;
	[tilespmem:$0x1E480] =	vst v63  }
0x44: {  	_ =	swait.ge [sflag:s25], $0x100  }
0x45: {  	[sflag:s25] =	ssyncset.done $0x0  }
0x46: {  	s7 =	simm.s32 $0x2680;
	[sflag:s25] =	ssyncadd.s32 $0xFFFFFF00  }
0x47: {  	[tilespmem:s26], [sflag:$0x2] =	stream.indirect.gather [hbm4b:s2+s18], $0x80, s7, s18, $0xb8;
	[tilespmem:$0x1E480] =	vst v63  }
0x48: {  	_ =	swait.ge [sflag:s28], $0x4000  }
0x49: {  	[sflag:s28] =	ssyncset.done $0x0  }
0x4a: {  	[sflag:s28] =	ssyncadd.s32 $0xFFFFC000  }
0x4b: {  	[spmem:s3] =	stream.indirect.scatter.add.f32 [tilespmem:s23], [sflag:$0x5], $0x80, s22, s18, $0xb8;
	[tilespmem:$0x1E480] =	vst v63  }
0x4c: {  	_ =	swait.ge [sflag:s20], $0x4000  }
0x4d: {  	[sflag:s20] =	ssyncset.done $0x0  }
0x4e: {  	s9 =	simm.s32 $0x2700;
	[sflag:s20] =	ssyncadd.s32 $0xFFFFC000  }
0x4f: {  	[tilespmem:s23], [sflag:$0x1] =	stream.indirect.gather [hbm4b:s2+s18], $0x80, s9, s18, $0xb8;
	[tilespmem:$0x1E480] =	vst v63  }
0x50: {  	_ =	swait.ge [sflag:s29], $0x4000  }
0x51: {  	[sflag:s29] =	ssyncset.done $0x0  }
0x52: {  	[sflag:s29] =	ssyncadd.s32 $0xFFFFC000  }
0x53: {  	[spmem:s3] =	stream.indirect.scatter.add.f32 [tilespmem:s26], [sflag:$0x5], $0x80, s30, s18, $0xb8;
	[tilespmem:$0x1E480] =	vst v63  }
0x54: {  	_ =	swait.ge [sflag:s20], $0x4000  }
0x55: {  	[sflag:s20] =	ssyncset.done $0x0  }
0x56: {  	[sflag:s20] =	ssyncadd.s32 $0xFFFFC000  }
0x57: {  	_ =	swait.ge [sflag:s31], $0x100  }
0x58: {  	[sflag:s31] =	ssyncset.done $0x0  }
0x59: {  	s19 =	simm.s32 $0x2780;
	[sflag:s31] =	ssyncadd.s32 $0xFFFFFF00  }
0x5a: {  	[tilespmem:s26], [sflag:$0x2] =	stream.indirect.gather [hbm4b:s2+s18], $0x80, s19, s18, $0xb8;
	[tilespmem:$0x1E480] =	vst v63  }
.LBB2_8:
0x5b: {  	_ =	swait.ge [sflag:s28], $0x4000  }
0x5c: {  	[sflag:s28] =	ssyncset.done $0x0  }
0x5d: {  	[sflag:s28] =	ssyncadd.s32 $0xFFFFC000  }
0x5e: {  	[spmem:s3] =	stream.indirect.scatter.add.f32 [tilespmem:s23], [sflag:$0x5], $0x80, s24, s18, $0xb8;
	[tilespmem:$0x1E480] =	vst v63  }
0x5f: {  	_ =	swait.ge [sflag:s20], $0x4000  }
0x60: {  	[sflag:s20] =	ssyncset.done $0x0  }
0x61: {  	[sflag:s20] =	ssyncadd.s32 $0xFFFFC000  }
0x62: {  	_ =	swait.ge [sflag:s29], $0x4000  }
0x63: {  	[sflag:s29] =	ssyncset.done $0x0  }
0x64: {  	[sflag:s29] =	ssyncadd.s32 $0xFFFFC000  }
0x65: {  	[spmem:s3] =	stream.indirect.scatter.add.f32 [tilespmem:s26], [sflag:$0x5], $0x80, s1, s18, $0xb8;
	[tilespmem:$0x1E480] =	vst v63  }
0x66: {  	_ =	swait.ge [sflag:s20], $0x4000  }
0x67: {  	[sflag:s20] =	ssyncset.done $0x0  }
0x68: {  	[sflag:s20] =	ssyncadd.s32 $0xFFFFC000  }
0x69: {  	s0 =	simm.s32 @p1 $0x1FC5;
	[bflag:$0x0] =	sbarrier.arrive $0xFFFF  }
0x6a: {  	[hbm:s14], [sflag:s0] =	dma.local @p1 [spmem:s21], $0x2800  }
0x6b: {  	s0 =	simm.s32 @p1 $0x5  }
0x6c: {  	s11 =	sadd.s32 $0x1, s11;
	_ =	swait.ge @p1 [sflag:s0], $0x2800  }
0x6d: {  	p2 =	sne.s32 s11, s15;
	[sflag:s0] =	ssyncset.done @p1 $0x0  }
.Ltmp1:
0x6e: {  	[sflag:s0] =	ssyncadd.s32 @p1 $0xFFFFD800;
	s0 =	simm.s32 @!p1 $0x5;
	(pc) =	sbr.rel @!p2 .LBB2_9-.Ltmp1, $4  }
0x6f: {  	[hbm:s13], [sflag:s8] =	dma.local @!p1 [spmem:s12], $0x2700  }
0x70: {  	_ =	swait.ge @!p1 [sflag:s0], $0x2700  }
0x71: {  	[sflag:s0] =	ssyncset.done @!p1 $0x0  }
0x72: {  	[sflag:s0] =	ssyncadd.s32 @!p1 $0xFFFFD900  }
.LBB2_1:
.Ltmp2:
0x73: {  	s0 =	rddreg [dreg:$0x4];
	s6 =	simm.s32 $0x400;
	(pc) =	sbr.rel @!p0 .LBB2_2-.Ltmp2, $4  }
0x74: {  	[tilespmem:s4], [sflag:$0x5] =	stream.strided.gather [hbm4b:s0+s18], $0x2800, s6, s18, $0x38;
	[tilespmem:$0x1E480] =	vst v63  }
0x75: {  	s0 =	stileid.u32;
	_ =	swait.ge [sflag:s20], $0x2800  }
0x76: {  	s0 =	sshll.u32 @!p1 s0, $0x6;
	[sflag:s20] =	ssyncset.done $0x0;
	s6 =	rddreg [dreg:$0x5]  }
0x77: {  	s8 =	sor.u32 @!p1 $0x1C05, s0;
	[sflag:s20] =	ssyncadd.s32 $0xFFFFD800;
	s12 =	sshrl.u32 @!p1 s6, $0x3  }
0x78: {  	s0 =	simm.s32 @p1 $0x1FC5;
	s6 =	rddreg [dreg:$0x9]  }
0x79: {  	[spmem:s21], [sflag:s0] =	dma.local @p1 [hbm:s6], $0x2800  }
0x7a: {  	s0 =	simm.s32 @p1 $0x5  }
0x7b: {  	_ =	swait.ge @p1 [sflag:s0], $0x2800  }
0x7c: {  	[sflag:s0] =	ssyncset.done @p1 $0x0  }
0x7d: {  	[sflag:s0] =	ssyncadd.s32 @p1 $0xFFFFD800;
	s0 =	rddreg [dreg:$0x8]  }
0x7e: {  	[spmem:s12], [sflag:s8] =	dma.local @!p1 [hbm:s0], $0x2700  }
0x7f: {  	s0 =	simm.s32 @!p1 $0x5  }
0x80: {  	_ =	swait.ge @!p1 [sflag:s0], $0x2700  }
0x81: {  	[sflag:s0] =	ssyncset.done @!p1 $0x0  }
0x82: {  	[sflag:s0] =	ssyncadd.s32 @!p1 $0xFFFFD900  }
0x83: {  	s9 =	simm.s32 $0x0;
	[bflag:$0x0] =	sbarrier.arrive $0xFFFF  }
0x84: {  	[tilespmem:s22], [sflag:$0x3] =	stream.linear.gather [hbm4b:s10+s9], $0x100, $0x38;
	[tilespmem:$0x1E480] =	vst v63  }
0x85: {  	_ = 	snop  }
0x86: {  	[tilespmem:s23], [sflag:$0x1] =	stream.indirect.gather [hbm4b:s2+s18], $0x80, s9, s18, $0xb8;
	[tilespmem:$0x1E480] =	vst v63  }
0x87: {  	s19 =	sadd.s32 $0xFFFFFFE0, s17  }
0x88: {  	[tilespmem:s24], [sflag:$0x4] =	stream.linear.gather [hbm4b:s19+s4], $0x100, $0x38;
	[tilespmem:$0x1E480] =	vst v63  }
0x89: {  	_ =	swait.ge [sflag:s25], $0x100  }
0x8a: {  	[sflag:s25] =	ssyncset.done $0x0  }
0x8b: {  	s6 =	simm.s32 $0x80;
	[sflag:s25] =	ssyncadd.s32 $0xFFFFFF00  }
0x8c: {  	[tilespmem:s26], [sflag:$0x2] =	stream.indirect.gather [hbm4b:s2+s18], $0x80, s6, s18, $0xb8;
	[tilespmem:$0x1E480] =	vst v63  }
0x8d: {  	_ =	swait.ge [sflag:s28], $0x4000  }
0x8e: {  	[sflag:s28] =	ssyncset.done $0x0  }
0x8f: {  	[sflag:s28] =	ssyncadd.s32 $0xFFFFC000  }
0x90: {  	[spmem:s3] =	stream.indirect.scatter.add.f32 [tilespmem:s23], [sflag:$0x5], $0x80, s22, s18, $0xb8;
	[tilespmem:$0x1E480] =	vst v63  }
0x91: {  	_ =	swait.ge [sflag:s20], $0x4000  }
0x92: {  	[sflag:s20] =	ssyncset.done $0x0  }
0x93: {  	s7 =	simm.s32 $0x100;
	[sflag:s20] =	ssyncadd.s32 $0xFFFFC000  }
0x94: {  	[tilespmem:s23], [sflag:$0x1] =	stream.indirect.gather [hbm4b:s2+s18], $0x80, s7, s18, $0xb8;
	[tilespmem:$0x1E480] =	vst v63  }
0x95: {  	_ =	swait.ge [sflag:s29], $0x4000  }
0x96: {  	[sflag:s29] =	ssyncset.done $0x0  }
0x97: {  	[sflag:s29] =	ssyncadd.s32 $0xFFFFC000  }
0x98: {  	[spmem:s3] =	stream.indirect.scatter.add.f32 [tilespmem:s26], [sflag:$0x5], $0x80, s30, s18, $0xb8;
	[tilespmem:$0x1E480] =	vst v63  }
0x99: {  	_ =	swait.ge [sflag:s20], $0x4000  }
0x9a: {  	[sflag:s20] =	ssyncset.done $0x0  }
0x9b: {  	[sflag:s20] =	ssyncadd.s32 $0xFFFFC000  }
0x9c: {  	[tilespmem:s22], [sflag:$0x3] =	stream.linear.gather [hbm4b:s17+s4], $0x100, $0x38;
	[tilespmem:$0x1E480] =	vst v63  }
0x9d: {  	_ =	swait.ge [sflag:s31], $0x100  }
0x9e: {  	[sflag:s31] =	ssyncset.done $0x0  }
0x9f: {  	s9 =	simm.s32 $0x180;
	[sflag:s31] =	ssyncadd.s32 $0xFFFFFF00  }
0xa0: {  	[tilespmem:s26], [sflag:$0x2] =	stream.indirect.gather [hbm4b:s2+s18], $0x80, s9, s18, $0xb8;
	[tilespmem:$0x1E480] =	vst v63  }
0xa1: {  	_ =	swait.ge [sflag:s28], $0x4000  }
0xa2: {  	[sflag:s28] =	ssyncset.done $0x0  }
0xa3: {  	[sflag:s28] =	ssyncadd.s32 $0xFFFFC000  }
0xa4: {  	[spmem:s3] =	stream.indirect.scatter.add.f32 [tilespmem:s23], [sflag:$0x5], $0x80, s24, s18, $0xb8;
	[tilespmem:$0x1E480] =	vst v63  }
0xa5: {  	_ =	swait.ge [sflag:s20], $0x4000  }
0xa6: {  	[sflag:s20] =	ssyncset.done $0x0  }
0xa7: {  	s19 =	simm.s32 $0x200;
	[sflag:s20] =	ssyncadd.s32 $0xFFFFC000  }
0xa8: {  	[tilespmem:s23], [sflag:$0x1] =	stream.indirect.gather [hbm4b:s2+s18], $0x80, s19, s18, $0xb8;
	[tilespmem:$0x1E480] =	vst v63  }
0xa9: {  	_ =	swait.ge [sflag:s29], $0x4000  }
0xaa: {  	[sflag:s29] =	ssyncset.done $0x0  }
0xab: {  	[sflag:s29] =	ssyncadd.s32 $0xFFFFC000  }
0xac: {  	[spmem:s3] =	stream.indirect.scatter.add.f32 [tilespmem:s26], [sflag:$0x5], $0x80, s1, s18, $0xb8;
	[tilespmem:$0x1E480] =	vst v63  }
0xad: {  	s0 =	simm.s32 $0x1000;
	_ =	swait.ge [sflag:s20], $0x4000  }
0xae: {  	s9 =	sadd.s32 $0x40, s17;
	s19 =	simm.s32 $0x800;
	[sflag:s20] =	ssyncset.done $0x0  }
.LBB2_6:
0xaf: {  	p2 =	sne.s32 s0, $0x9000;
	s6 =	sadd.s32 $0xFFFFFFE0, s9;
	[sflag:s20] =	ssyncadd.s32 $0xFFFFC000  }
0xb0: {  	[tilespmem:s24], [sflag:$0x4] =	stream.linear.gather [hbm4b:s6+s4], $0x100, $0x38;
	[tilespmem:$0x1E480] =	vst v63  }
0xb1: {  	s7 =	smov.u32 s0;
	s0 =	sadd.s32 $0x800, s0;
	_ =	swait.ge [sflag:s25], $0x100  }
0xb2: {  	s6 =	sshra.s32 s19, $0x2;
	s19 =	smov.u32 s7;
	[sflag:s25] =	ssyncset.done $0x0  }
0xb3: {  	s7 =	sadd.s32 $0x80, s6;
	[sflag:s25] =	ssyncadd.s32 $0xFFFFFF00  }
0xb4: {  	[tilespmem:s26], [sflag:$0x2] =	stream.indirect.gather [hbm4b:s2+s18], $0x80, s7, s18, $0xb8;
	[tilespmem:$0x1E480] =	vst v63  }
0xb5: {  	_ =	swait.ge [sflag:s28], $0x4000  }
0xb6: {  	[sflag:s28] =	ssyncset.done $0x0  }
0xb7: {  	[sflag:s28] =	ssyncadd.s32 $0xFFFFC000  }
0xb8: {  	[spmem:s3] =	stream.indirect.scatter.add.f32 [tilespmem:s23], [sflag:$0x5], $0x80, s22, s18, $0xb8;
	[tilespmem:$0x1E480] =	vst v63  }
0xb9: {  	_ =	swait.ge [sflag:s20], $0x4000  }
0xba: {  	[sflag:s20] =	ssyncset.done $0x0  }
0xbb: {  	s7 =	sadd.s32 $0x100, s6;
	[sflag:s20] =	ssyncadd.s32 $0xFFFFC000  }
0xbc: {  	[tilespmem:s23], [sflag:$0x1] =	stream.indirect.gather [hbm4b:s2+s18], $0x80, s7, s18, $0xb8;
	[tilespmem:$0x1E480] =	vst v63  }
0xbd: {  	_ =	swait.ge [sflag:s29], $0x4000  }
0xbe: {  	[sflag:s29] =	ssyncset.done $0x0  }
0xbf: {  	[sflag:s29] =	ssyncadd.s32 $0xFFFFC000  }
0xc0: {  	[spmem:s3] =	stream.indirect.scatter.add.f32 [tilespmem:s26], [sflag:$0x5], $0x80, s30, s18, $0xb8;
	[tilespmem:$0x1E480] =	vst v63  }
0xc1: {  	_ =	swait.ge [sflag:s20], $0x4000  }
0xc2: {  	[sflag:s20] =	ssyncset.done $0x0  }
0xc3: {  	[sflag:s20] =	ssyncadd.s32 $0xFFFFC000  }
0xc4: {  	[tilespmem:s22], [sflag:$0x3] =	stream.linear.gather [hbm4b:s9+s4], $0x100, $0x38;
	[tilespmem:$0x1E480] =	vst v63  }
0xc5: {  	_ =	swait.ge [sflag:s31], $0x100  }
0xc6: {  	[sflag:s31] =	ssyncset.done $0x0  }
0xc7: {  	s7 =	sadd.s32 $0x180, s6;
	[sflag:s31] =	ssyncadd.s32 $0xFFFFFF00  }
0xc8: {  	[tilespmem:s26], [sflag:$0x2] =	stream.indirect.gather [hbm4b:s2+s18], $0x80, s7, s18, $0xb8;
	[tilespmem:$0x1E480] =	vst v63  }
0xc9: {  	_ =	swait.ge [sflag:s28], $0x4000  }
0xca: {  	[sflag:s28] =	ssyncset.done $0x0  }
0xcb: {  	[sflag:s28] =	ssyncadd.s32 $0xFFFFC000  }
0xcc: {  	[spmem:s3] =	stream.indirect.scatter.add.f32 [tilespmem:s23], [sflag:$0x5], $0x80, s24, s18, $0xb8;
	[tilespmem:$0x1E480] =	vst v63  }
0xcd: {  	_ =	swait.ge [sflag:s20], $0x4000  }
0xce: {  	[sflag:s20] =	ssyncset.done $0x0  }
0xcf: {  	s6 =	sadd.s32 $0x200, s6;
	[sflag:s20] =	ssyncadd.s32 $0xFFFFC000  }
0xd0: {  	[tilespmem:s23], [sflag:$0x1] =	stream.indirect.gather [hbm4b:s2+s18], $0x80, s6, s18, $0xb8;
	[tilespmem:$0x1E480] =	vst v63  }
0xd1: {  	_ =	swait.ge [sflag:s29], $0x4000  }
.Ltmp3:
0xd2: {  	[sflag:s29] =	ssyncset.done $0x0;
	(pc) =	sbr.rel @p2 .LBB2_6-.Ltmp3, $4  }
0xd3: {  	[sflag:s29] =	ssyncadd.s32 $0xFFFFC000  }
0xd4: {  	[spmem:s3] =	stream.indirect.scatter.add.f32 [tilespmem:s26], [sflag:$0x5], $0x80, s1, s18, $0xb8;
	[tilespmem:$0x1E480] =	vst v63  }
0xd5: {  	_ =	swait.ge [sflag:s20], $0x4000  }
0xd6: {  	s9 =	sadd.s32 $0x40, s9;
	[sflag:s20] =	ssyncset.done $0x0  }
.Ltmp4:
0xd7: {  	_ = 	snop;
	(pc) =	sbr.rel .LBB2_7-.Ltmp4, $1  }
0xd8: {  	_ =	sdelay $0x3  }
.LBB2_2:
0xd9: {  	s0 =	simm.s32 @p1 $0x1FC5;
	s6 =	rddreg [dreg:$0x7]  }
0xda: {  	[spmem:s21], [sflag:s0] =	dma.local @p1 [hbm:s6], $0x2800  }
0xdb: {  	s0 =	simm.s32 @p1 $0x5  }
0xdc: {  	_ =	swait.ge @p1 [sflag:s0], $0x2800  }
0xdd: {  	[sflag:s0] =	ssyncset.done @p1 $0x0  }
0xde: {  	[sflag:s0] =	ssyncadd.s32 @p1 $0xFFFFD800;
	s0 =	rddreg [dreg:$0x6]  }
0xdf: {  	[spmem:s12], [sflag:s8] =	dma.local @!p1 [hbm:s0], $0x2700  }
0xe0: {  	s0 =	simm.s32 @!p1 $0x5  }
0xe1: {  	_ =	swait.ge @!p1 [sflag:s0], $0x2700  }
0xe2: {  	[sflag:s0] =	ssyncset.done @!p1 $0x0  }
0xe3: {  	[sflag:s0] =	ssyncadd.s32 @!p1 $0xFFFFD900  }
0xe4: {  	s9 =	simm.s32 $0x0;
	[bflag:$0x0] =	sbarrier.arrive $0xFFFF  }
0xe5: {  	[tilespmem:s22], [sflag:$0x3] =	stream.linear.gather [hbm4b:s10+s9], $0x100, $0x38;
	[tilespmem:$0x1E480] =	vst v63  }
0xe6: {  	_ = 	snop  }
0xe7: {  	[tilespmem:s23], [sflag:$0x1] =	stream.indirect.gather [hbm4b:s5+s18], $0x80, s9, s18, $0xb8;
	[tilespmem:$0x1E480] =	vst v63  }
0xe8: {  	s19 =	sadd.s32 $0xFFFFFFE0, s17  }
0xe9: {  	[tilespmem:s24], [sflag:$0x4] =	stream.linear.gather [hbm4b:s19+s4], $0x100, $0x38;
	[tilespmem:$0x1E480] =	vst v63  }
0xea: {  	_ =	swait.ge [sflag:s25], $0x100  }
0xeb: {  	[sflag:s25] =	ssyncset.done $0x0  }
0xec: {  	s6 =	simm.s32 $0x80;
	[sflag:s25] =	ssyncadd.s32 $0xFFFFFF00  }
0xed: {  	[tilespmem:s26], [sflag:$0x2] =	stream.indirect.gather [hbm4b:s5+s18], $0x80, s6, s18, $0xb8;
	[tilespmem:$0x1E480] =	vst v63  }
0xee: {  	_ =	swait.ge [sflag:s28], $0x4000  }
0xef: {  	[sflag:s28] =	ssyncset.done $0x0  }
0xf0: {  	[sflag:s28] =	ssyncadd.s32 $0xFFFFC000  }
0xf1: {  	[spmem:s3] =	stream.indirect.scatter.add.f32 [tilespmem:s23], [sflag:$0x5], $0x80, s22, s18, $0xb8;
	[tilespmem:$0x1E480] =	vst v63  }
0xf2: {  	_ =	swait.ge [sflag:s20], $0x4000  }
0xf3: {  	[sflag:s20] =	ssyncset.done $0x0  }
0xf4: {  	s7 =	simm.s32 $0x100;
	[sflag:s20] =	ssyncadd.s32 $0xFFFFC000  }
0xf5: {  	[tilespmem:s23], [sflag:$0x1] =	stream.indirect.gather [hbm4b:s5+s18], $0x80, s7, s18, $0xb8;
	[tilespmem:$0x1E480] =	vst v63  }
0xf6: {  	_ =	swait.ge [sflag:s29], $0x4000  }
0xf7: {  	[sflag:s29] =	ssyncset.done $0x0  }
0xf8: {  	[sflag:s29] =	ssyncadd.s32 $0xFFFFC000  }
0xf9: {  	[spmem:s3] =	stream.indirect.scatter.add.f32 [tilespmem:s26], [sflag:$0x5], $0x80, s30, s18, $0xb8;
	[tilespmem:$0x1E480] =	vst v63  }
0xfa: {  	_ =	swait.ge [sflag:s20], $0x4000  }
0xfb: {  	[sflag:s20] =	ssyncset.done $0x0  }
0xfc: {  	[sflag:s20] =	ssyncadd.s32 $0xFFFFC000  }
0xfd: {  	[tilespmem:s22], [sflag:$0x3] =	stream.linear.gather [hbm4b:s17+s4], $0x100, $0x38;
	[tilespmem:$0x1E480] =	vst v63  }
0xfe: {  	_ =	swait.ge [sflag:s31], $0x100  }
0xff: {  	[sflag:s31] =	ssyncset.done $0x0  }
0x100: {  	s9 =	simm.s32 $0x180;
	[sflag:s31] =	ssyncadd.s32 $0xFFFFFF00  }
0x101: {  	[tilespmem:s26], [sflag:$0x2] =	stream.indirect.gather [hbm4b:s5+s18], $0x80, s9, s18, $0xb8;
	[tilespmem:$0x1E480] =	vst v63  }
0x102: {  	_ =	swait.ge [sflag:s28], $0x4000  }
0x103: {  	[sflag:s28] =	ssyncset.done $0x0  }
0x104: {  	[sflag:s28] =	ssyncadd.s32 $0xFFFFC000  }
0x105: {  	[spmem:s3] =	stream.indirect.scatter.add.f32 [tilespmem:s23], [sflag:$0x5], $0x80, s24, s18, $0xb8;
	[tilespmem:$0x1E480] =	vst v63  }
0x106: {  	_ =	swait.ge [sflag:s20], $0x4000  }
0x107: {  	[sflag:s20] =	ssyncset.done $0x0  }
0x108: {  	s19 =	simm.s32 $0x200;
	[sflag:s20] =	ssyncadd.s32 $0xFFFFC000  }
0x109: {  	[tilespmem:s23], [sflag:$0x1] =	stream.indirect.gather [hbm4b:s5+s18], $0x80, s19, s18, $0xb8;
	[tilespmem:$0x1E480] =	vst v63  }
0x10a: {  	_ =	swait.ge [sflag:s29], $0x4000  }
0x10b: {  	[sflag:s29] =	ssyncset.done $0x0  }
0x10c: {  	[sflag:s29] =	ssyncadd.s32 $0xFFFFC000  }
0x10d: {  	[spmem:s3] =	stream.indirect.scatter.add.f32 [tilespmem:s26], [sflag:$0x5], $0x80, s1, s18, $0xb8;
	[tilespmem:$0x1E480] =	vst v63  }
0x10e: {  	s0 =	simm.s32 $0x1000;
	_ =	swait.ge [sflag:s20], $0x4000  }
0x10f: {  	s9 =	sadd.s32 $0x40, s17;
	s19 =	simm.s32 $0x800;
	[sflag:s20] =	ssyncset.done $0x0  }
.LBB2_3:
0x110: {  	p2 =	seq.s32 s0, $0x9000;
	s6 =	sadd.s32 $0xFFFFFFE0, s9;
	[sflag:s20] =	ssyncadd.s32 $0xFFFFC000  }
0x111: {  	[tilespmem:s24], [sflag:$0x4] =	stream.linear.gather [hbm4b:s6+s4], $0x100, $0x38;
	[tilespmem:$0x1E480] =	vst v63  }
0x112: {  	s7 =	smov.u32 s0;
	s0 =	sadd.s32 $0x800, s0;
	_ =	swait.ge [sflag:s25], $0x100  }
0x113: {  	s6 =	sshra.s32 s19, $0x2;
	s19 =	smov.u32 s7;
	[sflag:s25] =	ssyncset.done $0x0  }
0x114: {  	s7 =	sadd.s32 $0x80, s6;
	[sflag:s25] =	ssyncadd.s32 $0xFFFFFF00  }
0x115: {  	[tilespmem:s26], [sflag:$0x2] =	stream.indirect.gather [hbm4b:s5+s18], $0x80, s7, s18, $0xb8;
	[tilespmem:$0x1E480] =	vst v63  }
0x116: {  	_ =	swait.ge [sflag:s28], $0x4000  }
0x117: {  	[sflag:s28] =	ssyncset.done $0x0  }
0x118: {  	[sflag:s28] =	ssyncadd.s32 $0xFFFFC000  }
0x119: {  	[spmem:s3] =	stream.indirect.scatter.add.f32 [tilespmem:s23], [sflag:$0x5], $0x80, s22, s18, $0xb8;
	[tilespmem:$0x1E480] =	vst v63  }
0x11a: {  	_ =	swait.ge [sflag:s20], $0x4000  }
0x11b: {  	[sflag:s20] =	ssyncset.done $0x0  }
0x11c: {  	s7 =	sadd.s32 $0x100, s6;
	[sflag:s20] =	ssyncadd.s32 $0xFFFFC000  }
0x11d: {  	[tilespmem:s23], [sflag:$0x1] =	stream.indirect.gather [hbm4b:s5+s18], $0x80, s7, s18, $0xb8;
	[tilespmem:$0x1E480] =	vst v63  }
0x11e: {  	_ =	swait.ge [sflag:s29], $0x4000  }
0x11f: {  	[sflag:s29] =	ssyncset.done $0x0  }
0x120: {  	[sflag:s29] =	ssyncadd.s32 $0xFFFFC000  }
0x121: {  	[spmem:s3] =	stream.indirect.scatter.add.f32 [tilespmem:s26], [sflag:$0x5], $0x80, s30, s18, $0xb8;
	[tilespmem:$0x1E480] =	vst v63  }
0x122: {  	_ =	swait.ge [sflag:s20], $0x4000  }
0x123: {  	[sflag:s20] =	ssyncset.done $0x0  }
0x124: {  	[sflag:s20] =	ssyncadd.s32 $0xFFFFC000  }
0x125: {  	[tilespmem:s22], [sflag:$0x3] =	stream.linear.gather [hbm4b:s9+s4], $0x100, $0x38;
	[tilespmem:$0x1E480] =	vst v63  }
0x126: {  	_ =	swait.ge [sflag:s31], $0x100  }
0x127: {  	[sflag:s31] =	ssyncset.done $0x0  }
0x128: {  	s7 =	sadd.s32 $0x180, s6;
	[sflag:s31] =	ssyncadd.s32 $0xFFFFFF00  }
0x129: {  	[tilespmem:s26], [sflag:$0x2] =	stream.indirect.gather [hbm4b:s5+s18], $0x80, s7, s18, $0xb8;
	[tilespmem:$0x1E480] =	vst v63  }
0x12a: {  	_ =	swait.ge [sflag:s28], $0x4000  }
0x12b: {  	[sflag:s28] =	ssyncset.done $0x0  }
0x12c: {  	[sflag:s28] =	ssyncadd.s32 $0xFFFFC000  }
0x12d: {  	[spmem:s3] =	stream.indirect.scatter.add.f32 [tilespmem:s23], [sflag:$0x5], $0x80, s24, s18, $0xb8;
	[tilespmem:$0x1E480] =	vst v63  }
0x12e: {  	_ =	swait.ge [sflag:s20], $0x4000  }
0x12f: {  	[sflag:s20] =	ssyncset.done $0x0  }
0x130: {  	s6 =	sadd.s32 $0x200, s6;
	[sflag:s20] =	ssyncadd.s32 $0xFFFFC000  }
0x131: {  	[tilespmem:s23], [sflag:$0x1] =	stream.indirect.gather [hbm4b:s5+s18], $0x80, s6, s18, $0xb8;
	[tilespmem:$0x1E480] =	vst v63  }
0x132: {  	_ =	swait.ge [sflag:s29], $0x4000  }
.Ltmp5:
0x133: {  	[sflag:s29] =	ssyncset.done $0x0;
	(pc) =	sbr.rel @!p2 .LBB2_3-.Ltmp5, $4  }
0x134: {  	[sflag:s29] =	ssyncadd.s32 $0xFFFFC000  }
0x135: {  	[spmem:s3] =	stream.indirect.scatter.add.f32 [tilespmem:s26], [sflag:$0x5], $0x80, s1, s18, $0xb8;
	[tilespmem:$0x1E480] =	vst v63  }
0x136: {  	_ =	swait.ge [sflag:s20], $0x4000  }
0x137: {  	s9 =	sadd.s32 $0x40, s9;
	[sflag:s20] =	ssyncset.done $0x0  }
0x138: {  	s0 =	sadd.s32 $0xFFFFFFE0, s9;
	[sflag:s20] =	ssyncadd.s32 $0xFFFFC000  }
0x139: {  	[tilespmem:s24], [sflag:$0x4] =	stream.linear.gather [hbm4b:s0+s4], $0x100, $0x38;
	[tilespmem:$0x1E480] =	vst v63  }
0x13a: {  	_ =	swait.ge [sflag:s25], $0x100  }
0x13b: {  	s0 =	sshra.s32 s19, $0x2;
	[sflag:s25] =	ssyncset.done $0x0  }
0x13c: {  	s6 =	sadd.s32 $0x80, s0;
	[sflag:s25] =	ssyncadd.s32 $0xFFFFFF00  }
0x13d: {  	[tilespmem:s26], [sflag:$0x2] =	stream.indirect.gather [hbm4b:s5+s18], $0x80, s6, s18, $0xb8;
	[tilespmem:$0x1E480] =	vst v63  }
0x13e: {  	_ =	swait.ge [sflag:s28], $0x4000  }
0x13f: {  	[sflag:s28] =	ssyncset.done $0x0  }
0x140: {  	[sflag:s28] =	ssyncadd.s32 $0xFFFFC000  }
0x141: {  	[spmem:s3] =	stream.indirect.scatter.add.f32 [tilespmem:s23], [sflag:$0x5], $0x80, s22, s18, $0xb8;
	[tilespmem:$0x1E480] =	vst v63  }
0x142: {  	_ =	swait.ge [sflag:s20], $0x4000  }
0x143: {  	[sflag:s20] =	ssyncset.done $0x0  }
0x144: {  	s7 =	sadd.s32 $0x100, s0;
	[sflag:s20] =	ssyncadd.s32 $0xFFFFC000  }
0x145: {  	[tilespmem:s23], [sflag:$0x1] =	stream.indirect.gather [hbm4b:s5+s18], $0x80, s7, s18, $0xb8;
	[tilespmem:$0x1E480] =	vst v63  }
0x146: {  	_ =	swait.ge [sflag:s29], $0x4000  }
0x147: {  	[sflag:s29] =	ssyncset.done $0x0  }
0x148: {  	[sflag:s29] =	ssyncadd.s32 $0xFFFFC000  }
0x149: {  	[spmem:s3] =	stream.indirect.scatter.add.f32 [tilespmem:s26], [sflag:$0x5], $0x80, s30, s18, $0xb8;
	[tilespmem:$0x1E480] =	vst v63  }
0x14a: {  	_ =	swait.ge [sflag:s20], $0x4000  }
0x14b: {  	[sflag:s20] =	ssyncset.done $0x0  }
0x14c: {  	[sflag:s20] =	ssyncadd.s32 $0xFFFFC000  }
0x14d: {  	[tilespmem:s22], [sflag:$0x3] =	stream.linear.gather [hbm4b:s9+s4], $0x100, $0x38;
	[tilespmem:$0x1E480] =	vst v63  }
0x14e: {  	_ =	swait.ge [sflag:s31], $0x100  }
0x14f: {  	[sflag:s31] =	ssyncset.done $0x0  }
0x150: {  	s19 =	sadd.s32 $0x180, s0;
	[sflag:s31] =	ssyncadd.s32 $0xFFFFFF00  }
0x151: {  	[tilespmem:s26], [sflag:$0x2] =	stream.indirect.gather [hbm4b:s5+s18], $0x80, s19, s18, $0xb8;
	[tilespmem:$0x1E480] =	vst v63  }
0x152: {  	_ =	swait.ge [sflag:s28], $0x4000  }
0x153: {  	[sflag:s28] =	ssyncset.done $0x0  }
0x154: {  	[sflag:s28] =	ssyncadd.s32 $0xFFFFC000  }
0x155: {  	[spmem:s3] =	stream.indirect.scatter.add.f32 [tilespmem:s23], [sflag:$0x5], $0x80, s24, s18, $0xb8;
	[tilespmem:$0x1E480] =	vst v63  }
0x156: {  	_ =	swait.ge [sflag:s20], $0x4000  }
0x157: {  	[sflag:s20] =	ssyncset.done $0x0  }
0x158: {  	s0 =	sadd.s32 $0x200, s0;
	[sflag:s20] =	ssyncadd.s32 $0xFFFFC000  }
0x159: {  	[tilespmem:s23], [sflag:$0x1] =	stream.indirect.gather [hbm4b:s5+s18], $0x80, s0, s18, $0xb8;
	[tilespmem:$0x1E480] =	vst v63  }
0x15a: {  	_ =	swait.ge [sflag:s29], $0x4000  }
0x15b: {  	[sflag:s29] =	ssyncset.done $0x0  }
0x15c: {  	[sflag:s29] =	ssyncadd.s32 $0xFFFFC000  }
0x15d: {  	[spmem:s3] =	stream.indirect.scatter.add.f32 [tilespmem:s26], [sflag:$0x5], $0x80, s1, s18, $0xb8;
	[tilespmem:$0x1E480] =	vst v63  }
0x15e: {  	_ =	swait.ge [sflag:s20], $0x4000  }
0x15f: {  	[sflag:s20] =	ssyncset.done $0x0  }
0x160: {  	[sflag:s20] =	ssyncadd.s32 $0xFFFFC000  }
0x161: {  	[tilespmem:s24], [sflag:$0x4] =	stream.linear.gather [hbm4b:s16+s4], $0x100, $0x38;
	[tilespmem:$0x1E480] =	vst v63  }
0x162: {  	_ =	swait.ge [sflag:s25], $0x100  }
0x163: {  	[sflag:s25] =	ssyncset.done $0x0  }
0x164: {  	s7 =	simm.s32 $0x2680;
	[sflag:s25] =	ssyncadd.s32 $0xFFFFFF00  }
0x165: {  	[tilespmem:s26], [sflag:$0x2] =	stream.indirect.gather [hbm4b:s5+s18], $0x80, s7, s18, $0xb8;
	[tilespmem:$0x1E480] =	vst v63  }
0x166: {  	_ =	swait.ge [sflag:s28], $0x4000  }
0x167: {  	[sflag:s28] =	ssyncset.done $0x0  }
0x168: {  	[sflag:s28] =	ssyncadd.s32 $0xFFFFC000  }
0x169: {  	[spmem:s3] =	stream.indirect.scatter.add.f32 [tilespmem:s23], [sflag:$0x5], $0x80, s22, s18, $0xb8;
	[tilespmem:$0x1E480] =	vst v63  }
0x16a: {  	_ =	swait.ge [sflag:s20], $0x4000  }
0x16b: {  	[sflag:s20] =	ssyncset.done $0x0  }
0x16c: {  	s9 =	simm.s32 $0x2700;
	[sflag:s20] =	ssyncadd.s32 $0xFFFFC000  }
0x16d: {  	[tilespmem:s23], [sflag:$0x1] =	stream.indirect.gather [hbm4b:s5+s18], $0x80, s9, s18, $0xb8;
	[tilespmem:$0x1E480] =	vst v63  }
0x16e: {  	_ =	swait.ge [sflag:s29], $0x4000  }
0x16f: {  	[sflag:s29] =	ssyncset.done $0x0  }
0x170: {  	[sflag:s29] =	ssyncadd.s32 $0xFFFFC000  }
0x171: {  	[spmem:s3] =	stream.indirect.scatter.add.f32 [tilespmem:s26], [sflag:$0x5], $0x80, s30, s18, $0xb8;
	[tilespmem:$0x1E480] =	vst v63  }
0x172: {  	_ =	swait.ge [sflag:s20], $0x4000  }
0x173: {  	[sflag:s20] =	ssyncset.done $0x0  }
.Ltmp6:
0x174: {  	[sflag:s20] =	ssyncadd.s32 $0xFFFFC000;
	(pc) =	sbr.rel .LBB2_8-.Ltmp6, $4  }
0x175: {  	_ =	swait.ge [sflag:s31], $0x100  }
0x176: {  	[sflag:s31] =	ssyncset.done $0x0  }
0x177: {  	s19 =	simm.s32 $0x2780;
	[sflag:s31] =	ssyncadd.s32 $0xFFFFFF00  }
0x178: {  	[tilespmem:s26], [sflag:$0x2] =	stream.indirect.gather [hbm4b:s5+s18], $0x80, s19, s18, $0xb8;
	[tilespmem:$0x1E480] =	vst v63  }
.LBB2_9:
0x179: {  	_ =	sfence.sel $0x180000  }
0x17a: {  	[bflag:$0x0] =	sbarrier.arrive $0xFFFF  }
0x17b: {  	_ =	strace $0x90000047  }
0x17c: {  	s0 =	stileid.u32;
	[bflag:$0x2] =	sbarrier.arrive $0xFFFF  }
0x17d: {  	p0 =	sne.s32 s0, $0x0;
	s0 =	rddreg [dreg:$0x3]  }
0x17e: {  	s0 =	sadd.s32 @!p0 $0x100000, s0  }
0x17f: {  	[sflag:s0] =	ssyncadd.tile.s32 @!p0 $0x1;
	_ =	shalt  }
.Lfunc_end2:
_tile_overlayer_lowered:
.L_overlay_start_2:
0x180: {  	(tag) =	ssettag $0x2  }
0x181: {  	s0 =	rddreg [dreg:$0x0];
	s2 =	stileid.u32  }
0x182: {  	s1 =	rddreg [dreg:$0x1];
	p0 =	sne.s32 s2, $0x0  }
0x183: {  	s3 =	rddreg [dreg:$0x2];
	[bflag:$0x3] =	sbarrier.arrive $0xFFFF;
	s2 =	simm.s32 @!p0 $0x1C05  }
0x184: {  	[timem:s3], [sflag:s2] =	dma.local @!p0 [hbm:s0], s1  }
0x185: {  	s0 =	simm.s32 @!p0 $0x5  }
0x186: {  	_ =	swait.ge @!p0 [sflag:s0], s1  }
0x187: {  	s1 =	ssub.s32 @!p0 $0x0, s1;
	[sflag:s0] =	ssyncset.done @!p0 $0x0  }
0x188: {  	[sflag:s0] =	ssyncadd.s32 @!p0 s1  }
0x189: {  	[bflag:$0x3] =	sbarrier.arrive $0xFFFF  }
0x18a: {  	_ =	shalt  }

</sc_bundles>
